<compile_context>
chip_gen: v7x
topology: tpu7x:2x2x1
jax: 0.10.2.dev20260603
libtpu: 0.0.44.dev20260713+nightly
codegen_flags: <defaults>
</compile_context>

<pallas_src>
import functools

import jax
import jax.numpy as jnp
from jax import lax
from jax.experimental import pallas as pl
from jax.experimental.pallas import tpu as pltpu
from jax.experimental.pallas import tpu_sc as plsc

BATCH = 2
SEQ_LEN = 4096
STRUCT_LEN = 2048
D_MODEL = 768
TOKENS = BATCH * SEQ_LEN

NUM_CORES = 2
NUM_SUBCORES = 16
NUM_WORKERS = NUM_CORES * NUM_SUBCORES
TOK_PER_W = TOKENS // NUM_WORKERS
CHUNK = 64
NCHUNK = TOK_PER_W // CHUNK
STRUCT_WORKERS = STRUCT_LEN // TOK_PER_W
LANES = 16
VECS_PER_ROW = D_MODEL // LANES


def _body(pos_hbm, lab_hbm, lf_hbm, st_hbm, out_hbm,
          idx_v, sidx_v, rows_v, srows_v, sem_g, sem_s):
    wid = lax.axis_index("s") * NUM_CORES + lax.axis_index("c")
    base = wid * TOK_PER_W

    pltpu.sync_copy(pos_hbm.at[wid], idx_v)

    @pl.when(wid < STRUCT_WORKERS)
    def _():
        pltpu.sync_copy(lab_hbm.at[wid], sidx_v)

    for c in range(NCHUNK):
        pltpu.async_copy(lf_hbm.at[idx_v.at[c]], rows_v, sem_g).wait()

        @pl.when(wid < STRUCT_WORKERS)
        def _():
            pltpu.async_copy(st_hbm.at[sidx_v.at[c]], srows_v, sem_s).wait()

            def row_add(r, _):
                def vec_add(j, _):
                    x = srows_v[r, pl.ds(j * LANES, LANES)]
                    plsc.addupdate(rows_v.at[r, pl.ds(j * LANES, LANES)], x)
                    return 0
                lax.fori_loop(0, VECS_PER_ROW, vec_add, 0, unroll=8)
                return 0
            lax.fori_loop(0, CHUNK, row_add, 0)

        pltpu.sync_copy(rows_v, out_hbm.at[pl.ds(base + c * CHUNK, CHUNK)])


@jax.jit
def _run(pos, lab, lf_table, st_table):
    kern = functools.partial(
        pl.kernel,
        mesh=plsc.VectorSubcoreMesh(core_axis_name="c", subcore_axis_name="s"),
        out_type=jax.ShapeDtypeStruct((TOKENS, D_MODEL), jnp.float32),
        scratch_types=[
            pltpu.VMEM((NCHUNK, CHUNK), jnp.int32),
            pltpu.VMEM((NCHUNK, CHUNK), jnp.int32),
            pltpu.VMEM((CHUNK, D_MODEL), jnp.float32),
            pltpu.VMEM((CHUNK, D_MODEL), jnp.float32),
            pltpu.SemaphoreType.DMA,
            pltpu.SemaphoreType.DMA,
        ],
    )(_body)
    return kern(pos, lab, lf_table, st_table)


def kernel(positions, node_types_labels, longformer_table, struct_table):
    pos = positions.astype(jnp.int32).reshape(NUM_WORKERS, NCHUNK, CHUNK)
    lab = node_types_labels[0].astype(jnp.int32).reshape(
        STRUCT_WORKERS, NCHUNK, CHUNK)
    out = _run(pos, lab, longformer_table, struct_table)
    return out.reshape(BATCH, SEQ_LEN, D_MODEL)

# --- scband reference (transcript-rebuilt; emitter-appended) ---
"""Pipeline reference for scband-longformer-absolute-structural-position-embedding-30039001268616 (READ-ONLY COPY).

The authoritative reference and input builder live on the scoring server;
editing this copy changes nothing except your own understanding.
"""

import jax, jax.numpy as jnp
import numpy as np

BATCH = 2
SEQ_LEN = 4096
STRUCT_LEN = 2048
D_MODEL = 768
NUM_LF_POS = 4098
NUM_STRUCT = 31
INIT_STD = 0.02


def setup_inputs(seed: int = 0) -> dict:
    key = jax.random.key(seed)
    k1, k2, k3, k4 = jax.random.split(key, 4)
    positions = jax.random.randint(k1, (BATCH, SEQ_LEN), 0, NUM_LF_POS, dtype=jnp.int64 if jax.config.jax_enable_x64 else jnp.int32)
    node_types_labels = jax.random.randint(k2, (BATCH, STRUCT_LEN), 0, NUM_STRUCT, dtype=jnp.int64 if jax.config.jax_enable_x64 else jnp.int32)
    longformer_table = jax.random.normal(k3, (NUM_LF_POS, D_MODEL), dtype=jnp.float32)
    struct_table = jax.random.normal(k4, (NUM_STRUCT, D_MODEL), dtype=jnp.float32) * INIT_STD
    return {
        "positions": positions,
        "node_types_labels": node_types_labels,
        "longformer_table": longformer_table,
        "struct_table": struct_table,
    }


def reference(positions, node_types_labels, longformer_table, struct_table):
    # pos_embeddings = self.longformer_pos_embedding(positions)
    pos_embeddings = jnp.take(longformer_table, positions, axis=0)
    # struct_pos_embeddings = self.structural_position_embeddings(struct_position_ids)
    struct_pos_embeddings = jnp.take(struct_table, node_types_labels, axis=0)
    # padded_struct_pos_embeddings = torch.zeros_like(pos_embeddings)
    # padded_struct_pos_embeddings[0, :struct_pos_embeddings.shape[1]] = struct_pos_embeddings[0]
    padded = jnp.zeros_like(pos_embeddings)
    padded = padded.at[0, : struct_pos_embeddings.shape[1]].set(struct_pos_embeddings[0])
    # mixed_pos_embeddings = pos_embeddings + padded_struct_pos_embeddings
    mixed_pos_embeddings = pos_embeddings + padded
    return mixed_pos_embeddings

if __name__ == "__main__":
    import jax
    _d = setup_inputs()
    print(jax.jit(kernel)(*tuple(_d.values())))

</pallas_src>

<mosaic_0001>
#map = affine_map<(d0, d1) -> (0, 0, 0)>
#map1 = affine_map<(d0, d1) -> (0, 0)>
module attributes {stable_mosaic.version = 14 : i64} {
  func.func @_body(%arg0: i32, %arg1: i32, %arg2: memref<32x4x64xi32, #tpu.memory_space<hbm>>, %arg3: memref<8x4x64xi32, #tpu.memory_space<hbm>>, %arg4: memref<4098x768xf32, #tpu.memory_space<hbm>>, %arg5: memref<31x768xf32, #tpu.memory_space<hbm>>, %arg6: memref<8192x768xf32, #tpu.memory_space<hbm>>, %arg7: memref<4x64xi32, #tpu.memory_space<vmem>>, %arg8: memref<4x64xi32, #tpu.memory_space<vmem>>, %arg9: memref<64x768xf32, #tpu.memory_space<vmem>>, %arg10: memref<64x768xf32, #tpu.memory_space<vmem>>, %arg11: memref<!tpu.dma_semaphore, #tpu.memory_space<semaphore_mem>>, %arg12: memref<!tpu.dma_semaphore, #tpu.memory_space<semaphore_mem>>) attributes {dimension_semantics = [#tpu.dimension_semantics<core_parallel>, #tpu.dimension_semantics<subcore_parallel>], iteration_bounds = array<i64: 2, 16>, scalar_prefetch = 0 : i64, scratch_operands = 6 : i64, tpu.core_type = #tpu.core_type<sc_vector_subcore>, window_params = [{transform_indices = #map}, {transform_indices = #map}, {transform_indices = #map1}, {transform_indices = #map1}, {transform_indices = #map1}]} {
    %mul3A = arith.constant 2 : i32
    %mul3A_0 = arith.muli %arg1, %mul3A : i32
    %add3A = arith.addi %mul3A_0, %arg0 : i32
    %mul3A_1 = arith.constant 256 : i32
    %mul3A_2 = arith.muli %add3A, %mul3A_1 : i32
    "tpu.region"() ({
      %run_scoped3A = tpu.sem_alloc : memref<!tpu.dma_semaphore, #tpu.memory_space<semaphore_mem>>
      %dma_start3A_87 = arith.constant 0 : i32
      %dma_start3A_88 = arith.constant 0 : i32
      %dma_start3A_89 = tpu.memref_slice %arg2[%add3A, %dma_start3A_87, %dma_start3A_88] : memref<32x4x64xi32, #tpu.memory_space<hbm>> -> memref<1x4x64xi32, #tpu.memory_space<hbm>>
      %dma_start3A_90 = tpu.memref_squeeze %dma_start3A_89 : memref<1x4x64xi32, #tpu.memory_space<hbm>> -> memref<4x64xi32, #tpu.memory_space<hbm>>
      %dma_start3A_91 = arith.constant 0 : i32
      %dma_start3A_92 = arith.constant 0 : i32
      %dma_start3A_93 = tpu.memref_slice %arg2[%add3A, %dma_start3A_91, %dma_start3A_92] : memref<32x4x64xi32, #tpu.memory_space<hbm>> -> memref<1x4x64xi32, #tpu.memory_space<hbm>>
      %dma_start3A_94 = tpu.memref_squeeze %dma_start3A_93 : memref<1x4x64xi32, #tpu.memory_space<hbm>> -> memref<4x64xi32, #tpu.memory_space<hbm>>
      tpu.enqueue_dma source(%dma_start3A_94 : memref<4x64xi32, #tpu.memory_space<hbm>>) target(%arg7 : memref<4x64xi32, #tpu.memory_space<vmem>>) target_semaphore(%run_scoped3A : memref<!tpu.dma_semaphore, #tpu.memory_space<semaphore_mem>>)
      %dma_wait3A_95 = arith.constant 0 : i32
      %dma_wait3A_96 = arith.constant 0 : i32
      %dma_wait3A_97 = tpu.memref_slice %arg2[%add3A, %dma_wait3A_95, %dma_wait3A_96] : memref<32x4x64xi32, #tpu.memory_space<hbm>> -> memref<1x4x64xi32, #tpu.memory_space<hbm>>
      %dma_wait3A_98 = tpu.memref_squeeze %dma_wait3A_97 : memref<1x4x64xi32, #tpu.memory_space<hbm>> -> memref<4x64xi32, #tpu.memory_space<hbm>>
      %dma_wait3A_99 = arith.constant 0 : i32
      %dma_wait3A_100 = arith.constant 0 : i32
      %dma_wait3A_101 = tpu.memref_slice %arg2[%add3A, %dma_wait3A_99, %dma_wait3A_100] : memref<32x4x64xi32, #tpu.memory_space<hbm>> -> memref<1x4x64xi32, #tpu.memory_space<hbm>>
      %dma_wait3A_102 = tpu.memref_squeeze %dma_wait3A_101 : memref<1x4x64xi32, #tpu.memory_space<hbm>> -> memref<4x64xi32, #tpu.memory_space<hbm>>
      tpu.wait_dma2 semaphore(%run_scoped3A : memref<!tpu.dma_semaphore, #tpu.memory_space<semaphore_mem>>) src(%dma_wait3A_102 : memref<4x64xi32, #tpu.memory_space<hbm>>) dst(%arg7 : memref<4x64xi32, #tpu.memory_space<vmem>>)
      tpu.yield
    }) : () -> ()
    %lt3A = arith.constant 8 : i32
    %lt3A_3 = arith.cmpi slt, %add3A, %lt3A : i32
    %convert_element_type3A = arith.extui %lt3A_3 : i1 to i32
    %cond3A = arith.constant 0 : i32
    %cond3A_4 = arith.cmpi ne, %convert_element_type3A, %cond3A : i32
    scf.if %cond3A_4 {
      "tpu.region"() ({
        %run_scoped3A = tpu.sem_alloc : memref<!tpu.dma_semaphore, #tpu.memory_space<semaphore_mem>>
        %dma_start3A_87 = arith.constant 0 : i32
        %dma_start3A_88 = arith.constant 0 : i32
        %dma_start3A_89 = tpu.memref_slice %arg3[%add3A, %dma_start3A_87, %dma_start3A_88] : memref<8x4x64xi32, #tpu.memory_space<hbm>> -> memref<1x4x64xi32, #tpu.memory_space<hbm>>
        %dma_start3A_90 = tpu.memref_squeeze %dma_start3A_89 : memref<1x4x64xi32, #tpu.memory_space<hbm>> -> memref<4x64xi32, #tpu.memory_space<hbm>>
        %dma_start3A_91 = arith.constant 0 : i32
        %dma_start3A_92 = arith.constant 0 : i32
        %dma_start3A_93 = tpu.memref_slice %arg3[%add3A, %dma_start3A_91, %dma_start3A_92] : memref<8x4x64xi32, #tpu.memory_space<hbm>> -> memref<1x4x64xi32, #tpu.memory_space<hbm>>
        %dma_start3A_94 = tpu.memref_squeeze %dma_start3A_93 : memref<1x4x64xi32, #tpu.memory_space<hbm>> -> memref<4x64xi32, #tpu.memory_space<hbm>>
        tpu.enqueue_dma source(%dma_start3A_94 : memref<4x64xi32, #tpu.memory_space<hbm>>) target(%arg8 : memref<4x64xi32, #tpu.memory_space<vmem>>) target_semaphore(%run_scoped3A : memref<!tpu.dma_semaphore, #tpu.memory_space<semaphore_mem>>)
        %dma_wait3A_95 = arith.constant 0 : i32
        %dma_wait3A_96 = arith.constant 0 : i32
        %dma_wait3A_97 = tpu.memref_slice %arg3[%add3A, %dma_wait3A_95, %dma_wait3A_96] : memref<8x4x64xi32, #tpu.memory_space<hbm>> -> memref<1x4x64xi32, #tpu.memory_space<hbm>>
        %dma_wait3A_98 = tpu.memref_squeeze %dma_wait3A_97 : memref<1x4x64xi32, #tpu.memory_space<hbm>> -> memref<4x64xi32, #tpu.memory_space<hbm>>
        %dma_wait3A_99 = arith.constant 0 : i32
        %dma_wait3A_100 = arith.constant 0 : i32
        %dma_wait3A_101 = tpu.memref_slice %arg3[%add3A, %dma_wait3A_99, %dma_wait3A_100] : memref<8x4x64xi32, #tpu.memory_space<hbm>> -> memref<1x4x64xi32, #tpu.memory_space<hbm>>
        %dma_wait3A_102 = tpu.memref_squeeze %dma_wait3A_101 : memref<1x4x64xi32, #tpu.memory_space<hbm>> -> memref<4x64xi32, #tpu.memory_space<hbm>>
        tpu.wait_dma2 semaphore(%run_scoped3A : memref<!tpu.dma_semaphore, #tpu.memory_space<semaphore_mem>>) src(%dma_wait3A_102 : memref<4x64xi32, #tpu.memory_space<hbm>>) dst(%arg8 : memref<4x64xi32, #tpu.memory_space<vmem>>)
        tpu.yield
      }) : () -> ()
    } else {
    }
    %dma_start3A = arith.constant 0 : i32
    %dma_start3A_5 = arith.constant 0 : i32
    %dma_start3A_6 = tpu.memref_slice %arg7[%dma_start3A, %dma_start3A_5] : memref<4x64xi32, #tpu.memory_space<vmem>> -> memref<1x64xi32, #tpu.memory_space<vmem>>
    %dma_start3A_7 = tpu.memref_squeeze %dma_start3A_6 : memref<1x64xi32, #tpu.memory_space<vmem>> -> memref<64xi32, #tpu.memory_space<vmem>>
    %dma_start3A_8 = arith.constant 0 : i32
    %dma_start3A_9 = arith.constant 0 : i32
    %dma_start3A_10 = tpu.memref_slice %arg4[%dma_start3A_8, %dma_start3A_9] : memref<4098x768xf32, #tpu.memory_space<hbm>> -> memref<4098x768xf32, #tpu.memory_space<hbm>>
    tpu.enqueue_indirect_dma source(%dma_start3A_10 : memref<4098x768xf32, #tpu.memory_space<hbm>>) target(%arg9 : memref<64x768xf32, #tpu.memory_space<vmem>>) offsets(%dma_start3A_7 : memref<64xi32, #tpu.memory_space<vmem>>) semaphore(%arg11 : memref<!tpu.dma_semaphore, #tpu.memory_space<semaphore_mem>>)
    %dma_wait3A = arith.constant 0 : i32
    %dma_wait3A_11 = arith.constant 0 : i32
    %dma_wait3A_12 = tpu.memref_slice %arg7[%dma_wait3A, %dma_wait3A_11] : memref<4x64xi32, #tpu.memory_space<vmem>> -> memref<1x64xi32, #tpu.memory_space<vmem>>
    %dma_wait3A_13 = tpu.memref_squeeze %dma_wait3A_12 : memref<1x64xi32, #tpu.memory_space<vmem>> -> memref<64xi32, #tpu.memory_space<vmem>>
    %dma_wait3A_14 = arith.constant 0 : i32
    %dma_wait3A_15 = arith.constant 0 : i32
    %dma_wait3A_16 = tpu.memref_slice %arg4[%dma_wait3A_14, %dma_wait3A_15] : memref<4098x768xf32, #tpu.memory_space<hbm>> -> memref<4098x768xf32, #tpu.memory_space<hbm>>
    tpu.wait_indirect_dma semaphore(%arg11 : memref<!tpu.dma_semaphore, #tpu.memory_space<semaphore_mem>>) src(%dma_wait3A_16 : memref<4098x768xf32, #tpu.memory_space<hbm>>) dst(%arg9 : memref<64x768xf32, #tpu.memory_space<vmem>>)
    %lt3A_17 = arith.constant 8 : i32
    %lt3A_18 = arith.cmpi slt, %add3A, %lt3A_17 : i32
    %convert_element_type3A_19 = arith.extui %lt3A_18 : i1 to i32
    %cond3A_20 = arith.constant 0 : i32
    %cond3A_21 = arith.cmpi ne, %convert_element_type3A_19, %cond3A_20 : i32
    scf.if %cond3A_21 {
      %dma_start3A_87 = arith.constant 0 : i32
      %dma_start3A_88 = arith.constant 0 : i32
      %dma_start3A_89 = tpu.memref_slice %arg8[%dma_start3A_87, %dma_start3A_88] : memref<4x64xi32, #tpu.memory_space<vmem>> -> memref<1x64xi32, #tpu.memory_space<vmem>>
      %dma_start3A_90 = tpu.memref_squeeze %dma_start3A_89 : memref<1x64xi32, #tpu.memory_space<vmem>> -> memref<64xi32, #tpu.memory_space<vmem>>
      %dma_start3A_91 = arith.constant 0 : i32
      %dma_start3A_92 = arith.constant 0 : i32
      %dma_start3A_93 = tpu.memref_slice %arg5[%dma_start3A_91, %dma_start3A_92] : memref<31x768xf32, #tpu.memory_space<hbm>> -> memref<31x768xf32, #tpu.memory_space<hbm>>
      tpu.enqueue_indirect_dma source(%dma_start3A_93 : memref<31x768xf32, #tpu.memory_space<hbm>>) target(%arg10 : memref<64x768xf32, #tpu.memory_space<vmem>>) offsets(%dma_start3A_90 : memref<64xi32, #tpu.memory_space<vmem>>) semaphore(%arg12 : memref<!tpu.dma_semaphore, #tpu.memory_space<semaphore_mem>>)
      %dma_wait3A_94 = arith.constant 0 : i32
      %dma_wait3A_95 = arith.constant 0 : i32
      %dma_wait3A_96 = tpu.memref_slice %arg8[%dma_wait3A_94, %dma_wait3A_95] : memref<4x64xi32, #tpu.memory_space<vmem>> -> memref<1x64xi32, #tpu.memory_space<vmem>>
      %dma_wait3A_97 = tpu.memref_squeeze %dma_wait3A_96 : memref<1x64xi32, #tpu.memory_space<vmem>> -> memref<64xi32, #tpu.memory_space<vmem>>
      %dma_wait3A_98 = arith.constant 0 : i32
      %dma_wait3A_99 = arith.constant 0 : i32
      %dma_wait3A_100 = tpu.memref_slice %arg5[%dma_wait3A_98, %dma_wait3A_99] : memref<31x768xf32, #tpu.memory_space<hbm>> -> memref<31x768xf32, #tpu.memory_space<hbm>>
      tpu.wait_indirect_dma semaphore(%arg12 : memref<!tpu.dma_semaphore, #tpu.memory_space<semaphore_mem>>) src(%dma_wait3A_100 : memref<31x768xf32, #tpu.memory_space<hbm>>) dst(%arg10 : memref<64x768xf32, #tpu.memory_space<vmem>>)
      %scan3A = arith.constant 0 : i32
      %scan3A_101 = arith.constant 0 : i32
      %scan3A_102 = arith.constant 64 : i32
      %scan3A_103 = arith.addi %scan3A_101, %scan3A_102 : i32
      %scan3A_104 = arith.constant 1 : i32
      %scan3A_105 = scf.for %scan3A_107 = %scan3A_101 to %scan3A_103 step %scan3A_104 iter_args(%scan3A_108 = %scan3A) -> (i32)  : i32 {
        %scan3A_109 = arith.constant 0 : i32
        %scan3A_110 = arith.constant 0 : i32
        %scan3A_111 = arith.constant 48 : i32
        %scan3A_112 = arith.addi %scan3A_110, %scan3A_111 : i32
        %scan3A_113 = arith.constant 8 : i32
        %scan3A_114 = scf.for %scan3A_117 = %scan3A_110 to %scan3A_112 step %scan3A_113 iter_args(%scan3A_118 = %scan3A_109) -> (i32)  : i32 {
          %mul3A_119 = arith.constant 16 : i32
          %mul3A_120 = arith.muli %scan3A_117, %mul3A_119 : i32
          %get3A = arith.index_cast %scan3A_107 : i32 to index
          %get3A_121 = arith.index_cast %mul3A_120 : i32 to index
          %get3A_122 = tpu.vector_load %arg10[%get3A, %get3A_121] {strides = array<i32>} : memref<64x768xf32, #tpu.memory_space<vmem>>, vector<1x16xf32>,
          %get3A_123 = vector.shape_cast %get3A_122 : vector<1x16xf32> to vector<16xf32>
          %mul3A_124 = arith.constant 16 : i32
          %mul3A_125 = arith.muli %scan3A_117, %mul3A_124 : i32
          %swap3A = arith.index_cast %scan3A_107 : i32 to index
          %swap3A_126 = arith.index_cast %mul3A_125 : i32 to index
          %swap3A_127 = tpu.vector_load %arg9[%swap3A, %swap3A_126] {strides = array<i32>} : memref<64x768xf32, #tpu.memory_space<vmem>>, vector<1x16xf32>,
          %swap3A_128 = vector.shape_cast %swap3A_127 : vector<1x16xf32> to vector<16xf32>
          %swap3A_129 = vector.shape_cast %get3A_123 : vector<16xf32> to vector<1x16xf32>
          tpu.vector_store %arg9[%swap3A, %swap3A_126], %swap3A_129 {add = true, strides = array<i32>} : memref<64x768xf32, #tpu.memory_space<vmem>>, vector<1x16xf32>,
          %scan3A_130 = arith.constant 0 : i32
          %scan3A_131 = arith.constant 1 : i32
          %scan3A_132 = arith.addi %scan3A_117, %scan3A_131 : i32
          %mul3A_133 = arith.constant 16 : i32
          %mul3A_134 = arith.muli %scan3A_132, %mul3A_133 : i32
          %get3A_135 = arith.index_cast %scan3A_107 : i32 to index
          %get3A_136 = arith.index_cast %mul3A_134 : i32 to index
          %get3A_137 = tpu.vector_load %arg10[%get3A_135, %get3A_136] {strides = array<i32>} : memref<64x768xf32, #tpu.memory_space<vmem>>, vector<1x16xf32>,
          %get3A_138 = vector.shape_cast %get3A_137 : vector<1x16xf32> to vector<16xf32>
          %mul3A_139 = arith.constant 16 : i32
          %mul3A_140 = arith.muli %scan3A_132, %mul3A_139 : i32
          %swap3A_141 = arith.index_cast %scan3A_107 : i32 to index
          %swap3A_142 = arith.index_cast %mul3A_140 : i32 to index
          %swap3A_143 = tpu.vector_load %arg9[%swap3A_141, %swap3A_142] {strides = array<i32>} : memref<64x768xf32, #tpu.memory_space<vmem>>, vector<1x16xf32>,
          %swap3A_144 = vector.shape_cast %swap3A_143 : vector<1x16xf32> to vector<16xf32>
          %swap3A_145 = vector.shape_cast %get3A_138 : vector<16xf32> to vector<1x16xf32>
          tpu.vector_store %arg9[%swap3A_141, %swap3A_142], %swap3A_145 {add = true, strides = array<i32>} : memref<64x768xf32, #tpu.memory_space<vmem>>, vector<1x16xf32>,
          %scan3A_146 = arith.constant 0 : i32
          %scan3A_147 = arith.constant 2 : i32
          %scan3A_148 = arith.addi %scan3A_117, %scan3A_147 : i32
          %mul3A_149 = arith.constant 16 : i32
          %mul3A_150 = arith.muli %scan3A_148, %mul3A_149 : i32
          %get3A_151 = arith.index_cast %scan3A_107 : i32 to index
          %get3A_152 = arith.index_cast %mul3A_150 : i32 to index
          %get3A_153 = tpu.vector_load %arg10[%get3A_151, %get3A_152] {strides = array<i32>} : memref<64x768xf32, #tpu.memory_space<vmem>>, vector<1x16xf32>,
          %get3A_154 = vector.shape_cast %get3A_153 : vector<1x16xf32> to vector<16xf32>
          %mul3A_155 = arith.constant 16 : i32
          %mul3A_156 = arith.muli %scan3A_148, %mul3A_155 : i32
          %swap3A_157 = arith.index_cast %scan3A_107 : i32 to index
          %swap3A_158 = arith.index_cast %mul3A_156 : i32 to index
          %swap3A_159 = tpu.vector_load %arg9[%swap3A_157, %swap3A_158] {strides = array<i32>} : memref<64x768xf32, #tpu.memory_space<vmem>>, vector<1x16xf32>,
          %swap3A_160 = vector.shape_cast %swap3A_159 : vector<1x16xf32> to vector<16xf32>
          %swap3A_161 = vector.shape_cast %get3A_154 : vector<16xf32> to vector<1x16xf32>
          tpu.vector_store %arg9[%swap3A_157, %swap3A_158], %swap3A_161 {add = true, strides = array<i32>} : memref<64x768xf32, #tpu.memory_space<vmem>>, vector<1x16xf32>,
          %scan3A_162 = arith.constant 0 : i32
          %scan3A_163 = arith.constant 3 : i32
          %scan3A_164 = arith.addi %scan3A_117, %scan3A_163 : i32
          %mul3A_165 = arith.constant 16 : i32
          %mul3A_166 = arith.muli %scan3A_164, %mul3A_165 : i32
          %get3A_167 = arith.index_cast %scan3A_107 : i32 to index
          %get3A_168 = arith.index_cast %mul3A_166 : i32 to index
          %get3A_169 = tpu.vector_load %arg10[%get3A_167, %get3A_168] {strides = array<i32>} : memref<64x768xf32, #tpu.memory_space<vmem>>, vector<1x16xf32>,
          %get3A_170 = vector.shape_cast %get3A_169 : vector<1x16xf32> to vector<16xf32>
          %mul3A_171 = arith.constant 16 : i32
          %mul3A_172 = arith.muli %scan3A_164, %mul3A_171 : i32
          %swap3A_173 = arith.index_cast %scan3A_107 : i32 to index
          %swap3A_174 = arith.index_cast %mul3A_172 : i32 to index
          %swap3A_175 = tpu.vector_load %arg9[%swap3A_173, %swap3A_174] {strides = array<i32>} : memref<64x768xf32, #tpu.memory_space<vmem>>, vector<1x16xf32>,
          %swap3A_176 = vector.shape_cast %swap3A_175 : vector<1x16xf32> to vector<16xf32>
          %swap3A_177 = vector.shape_cast %get3A_170 : vector<16xf32> to vector<1x16xf32>
          tpu.vector_store %arg9[%swap3A_173, %swap3A_174], %swap3A_177 {add = true, strides = array<i32>} : memref<64x768xf32, #tpu.memory_space<vmem>>, vector<1x16xf32>,
          %scan3A_178 = arith.constant 0 : i32
          %scan3A_179 = arith.constant 4 : i32
          %scan3A_180 = arith.addi %scan3A_117, %scan3A_179 : i32
          %mul3A_181 = arith.constant 16 : i32
          %mul3A_182 = arith.muli %scan3A_180, %mul3A_181 : i32
          %get3A_183 = arith.index_cast %scan3A_107 : i32 to index
          %get3A_184 = arith.index_cast %mul3A_182 : i32 to index
          %get3A_185 = tpu.vector_load %arg10[%get3A_183, %get3A_184] {strides = array<i32>} : memref<64x768xf32, #tpu.memory_space<vmem>>, vector<1x16xf32>,
          %get3A_186 = vector.shape_cast %get3A_185 : vector<1x16xf32> to vector<16xf32>
          %mul3A_187 = arith.constant 16 : i32
          %mul3A_188 = arith.muli %scan3A_180, %mul3A_187 : i32
          %swap3A_189 = arith.index_cast %scan3A_107 : i32 to index
          %swap3A_190 = arith.index_cast %mul3A_188 : i32 to index
          %swap3A_191 = tpu.vector_load %arg9[%swap3A_189, %swap3A_190] {strides = array<i32>} : memref<64x768xf32, #tpu.memory_space<vmem>>, vector<1x16xf32>,
          %swap3A_192 = vector.shape_cast %swap3A_191 : vector<1x16xf32> to vector<16xf32>
          %swap3A_193 = vector.shape_cast %get3A_186 : vector<16xf32> to vector<1x16xf32>
          tpu.vector_store %arg9[%swap3A_189, %swap3A_190], %swap3A_193 {add = true, strides = array<i32>} : memref<64x768xf32, #tpu.memory_space<vmem>>, vector<1x16xf32>,
          %scan3A_194 = arith.constant 0 : i32
          %scan3A_195 = arith.constant 5 : i32
          %scan3A_196 = arith.addi %scan3A_117, %scan3A_195 : i32
          %mul3A_197 = arith.constant 16 : i32
          %mul3A_198 = arith.muli %scan3A_196, %mul3A_197 : i32
          %get3A_199 = arith.index_cast %scan3A_107 : i32 to index
          %get3A_200 = arith.index_cast %mul3A_198 : i32 to index
          %get3A_201 = tpu.vector_load %arg10[%get3A_199, %get3A_200] {strides = array<i32>} : memref<64x768xf32, #tpu.memory_space<vmem>>, vector<1x16xf32>,
          %get3A_202 = vector.shape_cast %get3A_201 : vector<1x16xf32> to vector<16xf32>
          %mul3A_203 = arith.constant 16 : i32
          %mul3A_204 = arith.muli %scan3A_196, %mul3A_203 : i32
          %swap3A_205 = arith.index_cast %scan3A_107 : i32 to index
          %swap3A_206 = arith.index_cast %mul3A_204 : i32 to index
          %swap3A_207 = tpu.vector_load %arg9[%swap3A_205, %swap3A_206] {strides = array<i32>} : memref<64x768xf32, #tpu.memory_space<vmem>>, vector<1x16xf32>,
          %swap3A_208 = vector.shape_cast %swap3A_207 : vector<1x16xf32> to vector<16xf32>
          %swap3A_209 = vector.shape_cast %get3A_202 : vector<16xf32> to vector<1x16xf32>
          tpu.vector_store %arg9[%swap3A_205, %swap3A_206], %swap3A_209 {add = true, strides = array<i32>} : memref<64x768xf32, #tpu.memory_space<vmem>>, vector<1x16xf32>,
          %scan3A_210 = arith.constant 0 : i32
          %scan3A_211 = arith.constant 6 : i32
          %scan3A_212 = arith.addi %scan3A_117, %scan3A_211 : i32
          %mul3A_213 = arith.constant 16 : i32
          %mul3A_214 = arith.muli %scan3A_212, %mul3A_213 : i32
          %get3A_215 = arith.index_cast %scan3A_107 : i32 to index
          %get3A_216 = arith.index_cast %mul3A_214 : i32 to index
          %get3A_217 = tpu.vector_load %arg10[%get3A_215, %get3A_216] {strides = array<i32>} : memref<64x768xf32, #tpu.memory_space<vmem>>, vector<1x16xf32>,
          %get3A_218 = vector.shape_cast %get3A_217 : vector<1x16xf32> to vector<16xf32>
          %mul3A_219 = arith.constant 16 : i32
          %mul3A_220 = arith.muli %scan3A_212, %mul3A_219 : i32
          %swap3A_221 = arith.index_cast %scan3A_107 : i32 to index
          %swap3A_222 = arith.index_cast %mul3A_220 : i32 to index
          %swap3A_223 = tpu.vector_load %arg9[%swap3A_221, %swap3A_222] {strides = array<i32>} : memref<64x768xf32, #tpu.memory_space<vmem>>, vector<1x16xf32>,
          %swap3A_224 = vector.shape_cast %swap3A_223 : vector<1x16xf32> to vector<16xf32>
          %swap3A_225 = vector.shape_cast %get3A_218 : vector<16xf32> to vector<1x16xf32>
          tpu.vector_store %arg9[%swap3A_221, %swap3A_222], %swap3A_225 {add = true, strides = array<i32>} : memref<64x768xf32, #tpu.memory_space<vmem>>, vector<1x16xf32>,
          %scan3A_226 = arith.constant 0 : i32
          %scan3A_227 = arith.constant 7 : i32
          %scan3A_228 = arith.addi %scan3A_117, %scan3A_227 : i32
          %mul3A_229 = arith.constant 16 : i32
          %mul3A_230 = arith.muli %scan3A_228, %mul3A_229 : i32
          %get3A_231 = arith.index_cast %scan3A_107 : i32 to index
          %get3A_232 = arith.index_cast %mul3A_230 : i32 to index
          %get3A_233 = tpu.vector_load %arg10[%get3A_231, %get3A_232] {strides = array<i32>} : memref<64x768xf32, #tpu.memory_space<vmem>>, vector<1x16xf32>,
          %get3A_234 = vector.shape_cast %get3A_233 : vector<1x16xf32> to vector<16xf32>
          %mul3A_235 = arith.constant 16 : i32
          %mul3A_236 = arith.muli %scan3A_228, %mul3A_235 : i32
          %swap3A_237 = arith.index_cast %scan3A_107 : i32 to index
          %swap3A_238 = arith.index_cast %mul3A_236 : i32 to index
          %swap3A_239 = tpu.vector_load %arg9[%swap3A_237, %swap3A_238] {strides = array<i32>} : memref<64x768xf32, #tpu.memory_space<vmem>>, vector<1x16xf32>,
          %swap3A_240 = vector.shape_cast %swap3A_239 : vector<1x16xf32> to vector<16xf32>
          %swap3A_241 = vector.shape_cast %get3A_234 : vector<16xf32> to vector<1x16xf32>
          tpu.vector_store %arg9[%swap3A_237, %swap3A_238], %swap3A_241 {add = true, strides = array<i32>} : memref<64x768xf32, #tpu.memory_space<vmem>>, vector<1x16xf32>,
          %scan3A_242 = arith.constant 0 : i32
          scf.yield %scan3A_242 : i32
        }
        %scan3A_115 = arith.constant 48 : i32
        %scan3A_116 = arith.constant 0 : i32
        scf.yield %scan3A_116 : i32
      }
      %scan3A_106 = arith.constant 64 : i32
    } else {
    }
    %add3A_22 = arith.constant 0 : i32
    %add3A_23 = arith.addi %mul3A_2, %add3A_22 : i32
    "tpu.region"() ({
      %run_scoped3A = tpu.sem_alloc : memref<!tpu.dma_semaphore, #tpu.memory_space<semaphore_mem>>
      %dma_start3A_87 = arith.constant 0 : i32
      %dma_start3A_88 = tpu.memref_slice %arg6[%add3A_23, %dma_start3A_87] : memref<8192x768xf32, #tpu.memory_space<hbm>> -> memref<64x768xf32, #tpu.memory_space<hbm>>
      %dma_start3A_89 = arith.constant 0 : i32
      %dma_start3A_90 = tpu.memref_slice %arg6[%add3A_23, %dma_start3A_89] : memref<8192x768xf32, #tpu.memory_space<hbm>> -> memref<64x768xf32, #tpu.memory_space<hbm>>
      tpu.enqueue_dma source(%arg9 : memref<64x768xf32, #tpu.memory_space<vmem>>) target(%dma_start3A_90 : memref<64x768xf32, #tpu.memory_space<hbm>>) target_semaphore(%run_scoped3A : memref<!tpu.dma_semaphore, #tpu.memory_space<semaphore_mem>>)
      %dma_wait3A_91 = arith.constant 0 : i32
      %dma_wait3A_92 = tpu.memref_slice %arg6[%add3A_23, %dma_wait3A_91] : memref<8192x768xf32, #tpu.memory_space<hbm>> -> memref<64x768xf32, #tpu.memory_space<hbm>>
      %dma_wait3A_93 = arith.constant 0 : i32
      %dma_wait3A_94 = tpu.memref_slice %arg6[%add3A_23, %dma_wait3A_93] : memref<8192x768xf32, #tpu.memory_space<hbm>> -> memref<64x768xf32, #tpu.memory_space<hbm>>
      tpu.wait_dma2 semaphore(%run_scoped3A : memref<!tpu.dma_semaphore, #tpu.memory_space<semaphore_mem>>) src(%arg9 : memref<64x768xf32, #tpu.memory_space<vmem>>) dst(%dma_wait3A_94 : memref<64x768xf32, #tpu.memory_space<hbm>>)
      tpu.yield
    }) : () -> ()
    %dma_start3A_24 = arith.constant 1 : i32
    %dma_start3A_25 = arith.constant 0 : i32
    %dma_start3A_26 = tpu.memref_slice %arg7[%dma_start3A_24, %dma_start3A_25] : memref<4x64xi32, #tpu.memory_space<vmem>> -> memref<1x64xi32, #tpu.memory_space<vmem>>
    %dma_start3A_27 = tpu.memref_squeeze %dma_start3A_26 : memref<1x64xi32, #tpu.memory_space<vmem>> -> memref<64xi32, #tpu.memory_space<vmem>>
    %dma_start3A_28 = arith.constant 0 : i32
    %dma_start3A_29 = arith.constant 0 : i32
    %dma_start3A_30 = tpu.memref_slice %arg4[%dma_start3A_28, %dma_start3A_29] : memref<4098x768xf32, #tpu.memory_space<hbm>> -> memref<4098x768xf32, #tpu.memory_space<hbm>>
    tpu.enqueue_indirect_dma source(%dma_start3A_30 : memref<4098x768xf32, #tpu.memory_space<hbm>>) target(%arg9 : memref<64x768xf32, #tpu.memory_space<vmem>>) offsets(%dma_start3A_27 : memref<64xi32, #tpu.memory_space<vmem>>) semaphore(%arg11 : memref<!tpu.dma_semaphore, #tpu.memory_space<semaphore_mem>>)
    %dma_wait3A_31 = arith.constant 1 : i32
    %dma_wait3A_32 = arith.constant 0 : i32
    %dma_wait3A_33 = tpu.memref_slice %arg7[%dma_wait3A_31, %dma_wait3A_32] : memref<4x64xi32, #tpu.memory_space<vmem>> -> memref<1x64xi32, #tpu.memory_space<vmem>>
    %dma_wait3A_34 = tpu.memref_squeeze %dma_wait3A_33 : memref<1x64xi32, #tpu.memory_space<vmem>> -> memref<64xi32, #tpu.memory_space<vmem>>
    %dma_wait3A_35 = arith.constant 0 : i32
    %dma_wait3A_36 = arith.constant 0 : i32
    %dma_wait3A_37 = tpu.memref_slice %arg4[%dma_wait3A_35, %dma_wait3A_36] : memref<4098x768xf32, #tpu.memory_space<hbm>> -> memref<4098x768xf32, #tpu.memory_space<hbm>>
    tpu.wait_indirect_dma semaphore(%arg11 : memref<!tpu.dma_semaphore, #tpu.memory_space<semaphore_mem>>) src(%dma_wait3A_37 : memref<4098x768xf32, #tpu.memory_space<hbm>>) dst(%arg9 : memref<64x768xf32, #tpu.memory_space<vmem>>)
    %lt3A_38 = arith.constant 8 : i32
    %lt3A_39 = arith.cmpi slt, %add3A, %lt3A_38 : i32
    %convert_element_type3A_40 = arith.extui %lt3A_39 : i1 to i32
    %cond3A_41 = arith.constant 0 : i32
    %cond3A_42 = arith.cmpi ne, %convert_element_type3A_40, %cond3A_41 : i32
    scf.if %cond3A_42 {
      %dma_start3A_87 = arith.constant 1 : i32
      %dma_start3A_88 = arith.constant 0 : i32
      %dma_start3A_89 = tpu.memref_slice %arg8[%dma_start3A_87, %dma_start3A_88] : memref<4x64xi32, #tpu.memory_space<vmem>> -> memref<1x64xi32, #tpu.memory_space<vmem>>
      %dma_start3A_90 = tpu.memref_squeeze %dma_start3A_89 : memref<1x64xi32, #tpu.memory_space<vmem>> -> memref<64xi32, #tpu.memory_space<vmem>>
      %dma_start3A_91 = arith.constant 0 : i32
      %dma_start3A_92 = arith.constant 0 : i32
      %dma_start3A_93 = tpu.memref_slice %arg5[%dma_start3A_91, %dma_start3A_92] : memref<31x768xf32, #tpu.memory_space<hbm>> -> memref<31x768xf32, #tpu.memory_space<hbm>>
      tpu.enqueue_indirect_dma source(%dma_start3A_93 : memref<31x768xf32, #tpu.memory_space<hbm>>) target(%arg10 : memref<64x768xf32, #tpu.memory_space<vmem>>) offsets(%dma_start3A_90 : memref<64xi32, #tpu.memory_space<vmem>>) semaphore(%arg12 : memref<!tpu.dma_semaphore, #tpu.memory_space<semaphore_mem>>)
      %dma_wait3A_94 = arith.constant 1 : i32
      %dma_wait3A_95 = arith.constant 0 : i32
      %dma_wait3A_96 = tpu.memref_slice %arg8[%dma_wait3A_94, %dma_wait3A_95] : memref<4x64xi32, #tpu.memory_space<vmem>> -> memref<1x64xi32, #tpu.memory_space<vmem>>
      %dma_wait3A_97 = tpu.memref_squeeze %dma_wait3A_96 : memref<1x64xi32, #tpu.memory_space<vmem>> -> memref<64xi32, #tpu.memory_space<vmem>>
      %dma_wait3A_98 = arith.constant 0 : i32
      %dma_wait3A_99 = arith.constant 0 : i32
      %dma_wait3A_100 = tpu.memref_slice %arg5[%dma_wait3A_98, %dma_wait3A_99] : memref<31x768xf32, #tpu.memory_space<hbm>> -> memref<31x768xf32, #tpu.memory_space<hbm>>
      tpu.wait_indirect_dma semaphore(%arg12 : memref<!tpu.dma_semaphore, #tpu.memory_space<semaphore_mem>>) src(%dma_wait3A_100 : memref<31x768xf32, #tpu.memory_space<hbm>>) dst(%arg10 : memref<64x768xf32, #tpu.memory_space<vmem>>)
      %scan3A = arith.constant 0 : i32
      %scan3A_101 = arith.constant 0 : i32
      %scan3A_102 = arith.constant 64 : i32
      %scan3A_103 = arith.addi %scan3A_101, %scan3A_102 : i32
      %scan3A_104 = arith.constant 1 : i32
      %scan3A_105 = scf.for %scan3A_107 = %scan3A_101 to %scan3A_103 step %scan3A_104 iter_args(%scan3A_108 = %scan3A) -> (i32)  : i32 {
        %scan3A_109 = arith.constant 0 : i32
        %scan3A_110 = arith.constant 0 : i32
        %scan3A_111 = arith.constant 48 : i32
        %scan3A_112 = arith.addi %scan3A_110, %scan3A_111 : i32
        %scan3A_113 = arith.constant 8 : i32
        %scan3A_114 = scf.for %scan3A_117 = %scan3A_110 to %scan3A_112 step %scan3A_113 iter_args(%scan3A_118 = %scan3A_109) -> (i32)  : i32 {
          %mul3A_119 = arith.constant 16 : i32
          %mul3A_120 = arith.muli %scan3A_117, %mul3A_119 : i32
          %get3A = arith.index_cast %scan3A_107 : i32 to index
          %get3A_121 = arith.index_cast %mul3A_120 : i32 to index
          %get3A_122 = tpu.vector_load %arg10[%get3A, %get3A_121] {strides = array<i32>} : memref<64x768xf32, #tpu.memory_space<vmem>>, vector<1x16xf32>,
          %get3A_123 = vector.shape_cast %get3A_122 : vector<1x16xf32> to vector<16xf32>
          %mul3A_124 = arith.constant 16 : i32
          %mul3A_125 = arith.muli %scan3A_117, %mul3A_124 : i32
          %swap3A = arith.index_cast %scan3A_107 : i32 to index
          %swap3A_126 = arith.index_cast %mul3A_125 : i32 to index
          %swap3A_127 = tpu.vector_load %arg9[%swap3A, %swap3A_126] {strides = array<i32>} : memref<64x768xf32, #tpu.memory_space<vmem>>, vector<1x16xf32>,
          %swap3A_128 = vector.shape_cast %swap3A_127 : vector<1x16xf32> to vector<16xf32>
          %swap3A_129 = vector.shape_cast %get3A_123 : vector<16xf32> to vector<1x16xf32>
          tpu.vector_store %arg9[%swap3A, %swap3A_126], %swap3A_129 {add = true, strides = array<i32>} : memref<64x768xf32, #tpu.memory_space<vmem>>, vector<1x16xf32>,
          %scan3A_130 = arith.constant 0 : i32
          %scan3A_131 = arith.constant 1 : i32
          %scan3A_132 = arith.addi %scan3A_117, %scan3A_131 : i32
          %mul3A_133 = arith.constant 16 : i32
          %mul3A_134 = arith.muli %scan3A_132, %mul3A_133 : i32
          %get3A_135 = arith.index_cast %scan3A_107 : i32 to index
          %get3A_136 = arith.index_cast %mul3A_134 : i32 to index
          %get3A_137 = tpu.vector_load %arg10[%get3A_135, %get3A_136] {strides = array<i32>} : memref<64x768xf32, #tpu.memory_space<vmem>>, vector<1x16xf32>,
          %get3A_138 = vector.shape_cast %get3A_137 : vector<1x16xf32> to vector<16xf32>
          %mul3A_139 = arith.constant 16 : i32
          %mul3A_140 = arith.muli %scan3A_132, %mul3A_139 : i32
          %swap3A_141 = arith.index_cast %scan3A_107 : i32 to index
          %swap3A_142 = arith.index_cast %mul3A_140 : i32 to index
          %swap3A_143 = tpu.vector_load %arg9[%swap3A_141, %swap3A_142] {strides = array<i32>} : memref<64x768xf32, #tpu.memory_space<vmem>>, vector<1x16xf32>,
          %swap3A_144 = vector.shape_cast %swap3A_143 : vector<1x16xf32> to vector<16xf32>
          %swap3A_145 = vector.shape_cast %get3A_138 : vector<16xf32> to vector<1x16xf32>
          tpu.vector_store %arg9[%swap3A_141, %swap3A_142], %swap3A_145 {add = true, strides = array<i32>} : memref<64x768xf32, #tpu.memory_space<vmem>>, vector<1x16xf32>,
          %scan3A_146 = arith.constant 0 : i32
          %scan3A_147 = arith.constant 2 : i32
          %scan3A_148 = arith.addi %scan3A_117, %scan3A_147 : i32
          %mul3A_149 = arith.constant 16 : i32
          %mul3A_150 = arith.muli %scan3A_148, %mul3A_149 : i32
          %get3A_151 = arith.index_cast %scan3A_107 : i32 to index
          %get3A_152 = arith.index_cast %mul3A_150 : i32 to index
          %get3A_153 = tpu.vector_load %arg10[%get3A_151, %get3A_152] {strides = array<i32>} : memref<64x768xf32, #tpu.memory_space<vmem>>, vector<1x16xf32>,
          %get3A_154 = vector.shape_cast %get3A_153 : vector<1x16xf32> to vector<16xf32>
          %mul3A_155 = arith.constant 16 : i32
          %mul3A_156 = arith.muli %scan3A_148, %mul3A_155 : i32
          %swap3A_157 = arith.index_cast %scan3A_107 : i32 to index
          %swap3A_158 = arith.index_cast %mul3A_156 : i32 to index
          %swap3A_159 = tpu.vector_load %arg9[%swap3A_157, %swap3A_158] {strides = array<i32>} : memref<64x768xf32, #tpu.memory_space<vmem>>, vector<1x16xf32>,
          %swap3A_160 = vector.shape_cast %swap3A_159 : vector<1x16xf32> to vector<16xf32>
          %swap3A_161 = vector.shape_cast %get3A_154 : vector<16xf32> to vector<1x16xf32>
          tpu.vector_store %arg9[%swap3A_157, %swap3A_158], %swap3A_161 {add = true, strides = array<i32>} : memref<64x768xf32, #tpu.memory_space<vmem>>, vector<1x16xf32>,
          %scan3A_162 = arith.constant 0 : i32
          %scan3A_163 = arith.constant 3 : i32
          %scan3A_164 = arith.addi %scan3A_117, %scan3A_163 : i32
          %mul3A_165 = arith.constant 16 : i32
          %mul3A_166 = arith.muli %scan3A_164, %mul3A_165 : i32
          %get3A_167 = arith.index_cast %scan3A_107 : i32 to index
          %get3A_168 = arith.index_cast %mul3A_166 : i32 to index
          %get3A_169 = tpu.vector_load %arg10[%get3A_167, %get3A_168] {strides = array<i32>} : memref<64x768xf32, #tpu.memory_space<vmem>>, vector<1x16xf32>,
          %get3A_170 = vector.shape_cast %get3A_169 : vector<1x16xf32> to vector<16xf32>
          %mul3A_171 = arith.constant 16 : i32
          %mul3A_172 = arith.muli %scan3A_164, %mul3A_171 : i32
          %swap3A_173 = arith.index_cast %scan3A_107 : i32 to index
          %swap3A_174 = arith.index_cast %mul3A_172 : i32 to index
          %swap3A_175 = tpu.vector_load %arg9[%swap3A_173, %swap3A_174] {strides = array<i32>} : memref<64x768xf32, #tpu.memory_space<vmem>>, vector<1x16xf32>,
          %swap3A_176 = vector.shape_cast %swap3A_175 : vector<1x16xf32> to vector<16xf32>
          %swap3A_177 = vector.shape_cast %get3A_170 : vector<16xf32> to vector<1x16xf32>
          tpu.vector_store %arg9[%swap3A_173, %swap3A_174], %swap3A_177 {add = true, strides = array<i32>} : memref<64x768xf32, #tpu.memory_space<vmem>>, vector<1x16xf32>,
          %scan3A_178 = arith.constant 0 : i32
          %scan3A_179 = arith.constant 4 : i32
          %scan3A_180 = arith.addi %scan3A_117, %scan3A_179 : i32
          %mul3A_181 = arith.constant 16 : i32
          %mul3A_182 = arith.muli %scan3A_180, %mul3A_181 : i32
          %get3A_183 = arith.index_cast %scan3A_107 : i32 to index
          %get3A_184 = arith.index_cast %mul3A_182 : i32 to index
          %get3A_185 = tpu.vector_load %arg10[%get3A_183, %get3A_184] {strides = array<i32>} : memref<64x768xf32, #tpu.memory_space<vmem>>, vector<1x16xf32>,
          %get3A_186 = vector.shape_cast %get3A_185 : vector<1x16xf32> to vector<16xf32>
          %mul3A_187 = arith.constant 16 : i32
          %mul3A_188 = arith.muli %scan3A_180, %mul3A_187 : i32
          %swap3A_189 = arith.index_cast %scan3A_107 : i32 to index
          %swap3A_190 = arith.index_cast %mul3A_188 : i32 to index
          %swap3A_191 = tpu.vector_load %arg9[%swap3A_189, %swap3A_190] {strides = array<i32>} : memref<64x768xf32, #tpu.memory_space<vmem>>, vector<1x16xf32>,
          %swap3A_192 = vector.shape_cast %swap3A_191 : vector<1x16xf32> to vector<16xf32>
          %swap3A_193 = vector.shape_cast %get3A_186 : vector<16xf32> to vector<1x16xf32>
          tpu.vector_store %arg9[%swap3A_189, %swap3A_190], %swap3A_193 {add = true, strides = array<i32>} : memref<64x768xf32, #tpu.memory_space<vmem>>, vector<1x16xf32>,
          %scan3A_194 = arith.constant 0 : i32
          %scan3A_195 = arith.constant 5 : i32
          %scan3A_196 = arith.addi %scan3A_117, %scan3A_195 : i32
          %mul3A_197 = arith.constant 16 : i32
          %mul3A_198 = arith.muli %scan3A_196, %mul3A_197 : i32
          %get3A_199 = arith.index_cast %scan3A_107 : i32 to index
          %get3A_200 = arith.index_cast %mul3A_198 : i32 to index
          %get3A_201 = tpu.vector_load %arg10[%get3A_199, %get3A_200] {strides = array<i32>} : memref<64x768xf32, #tpu.memory_space<vmem>>, vector<1x16xf32>,
          %get3A_202 = vector.shape_cast %get3A_201 : vector<1x16xf32> to vector<16xf32>
          %mul3A_203 = arith.constant 16 : i32
          %mul3A_204 = arith.muli %scan3A_196, %mul3A_203 : i32
          %swap3A_205 = arith.index_cast %scan3A_107 : i32 to index
          %swap3A_206 = arith.index_cast %mul3A_204 : i32 to index
          %swap3A_207 = tpu.vector_load %arg9[%swap3A_205, %swap3A_206] {strides = array<i32>} : memref<64x768xf32, #tpu.memory_space<vmem>>, vector<1x16xf32>,
          %swap3A_208 = vector.shape_cast %swap3A_207 : vector<1x16xf32> to vector<16xf32>
          %swap3A_209 = vector.shape_cast %get3A_202 : vector<16xf32> to vector<1x16xf32>
          tpu.vector_store %arg9[%swap3A_205, %swap3A_206], %swap3A_209 {add = true, strides = array<i32>} : memref<64x768xf32, #tpu.memory_space<vmem>>, vector<1x16xf32>,
          %scan3A_210 = arith.constant 0 : i32
          %scan3A_211 = arith.constant 6 : i32
          %scan3A_212 = arith.addi %scan3A_117, %scan3A_211 : i32
          %mul3A_213 = arith.constant 16 : i32
          %mul3A_214 = arith.muli %scan3A_212, %mul3A_213 : i32
          %get3A_215 = arith.index_cast %scan3A_107 : i32 to index
          %get3A_216 = arith.index_cast %mul3A_214 : i32 to index
          %get3A_217 = tpu.vector_load %arg10[%get3A_215, %get3A_216] {strides = array<i32>} : memref<64x768xf32, #tpu.memory_space<vmem>>, vector<1x16xf32>,
          %get3A_218 = vector.shape_cast %get3A_217 : vector<1x16xf32> to vector<16xf32>
          %mul3A_219 = arith.constant 16 : i32
          %mul3A_220 = arith.muli %scan3A_212, %mul3A_219 : i32
          %swap3A_221 = arith.index_cast %scan3A_107 : i32 to index
          %swap3A_222 = arith.index_cast %mul3A_220 : i32 to index
          %swap3A_223 = tpu.vector_load %arg9[%swap3A_221, %swap3A_222] {strides = array<i32>} : memref<64x768xf32, #tpu.memory_space<vmem>>, vector<1x16xf32>,
          %swap3A_224 = vector.shape_cast %swap3A_223 : vector<1x16xf32> to vector<16xf32>
          %swap3A_225 = vector.shape_cast %get3A_218 : vector<16xf32> to vector<1x16xf32>
          tpu.vector_store %arg9[%swap3A_221, %swap3A_222], %swap3A_225 {add = true, strides = array<i32>} : memref<64x768xf32, #tpu.memory_space<vmem>>, vector<1x16xf32>,
          %scan3A_226 = arith.constant 0 : i32
          %scan3A_227 = arith.constant 7 : i32
          %scan3A_228 = arith.addi %scan3A_117, %scan3A_227 : i32
          %mul3A_229 = arith.constant 16 : i32
          %mul3A_230 = arith.muli %scan3A_228, %mul3A_229 : i32
          %get3A_231 = arith.index_cast %scan3A_107 : i32 to index
          %get3A_232 = arith.index_cast %mul3A_230 : i32 to index
          %get3A_233 = tpu.vector_load %arg10[%get3A_231, %get3A_232] {strides = array<i32>} : memref<64x768xf32, #tpu.memory_space<vmem>>, vector<1x16xf32>,
          %get3A_234 = vector.shape_cast %get3A_233 : vector<1x16xf32> to vector<16xf32>
          %mul3A_235 = arith.constant 16 : i32
          %mul3A_236 = arith.muli %scan3A_228, %mul3A_235 : i32
          %swap3A_237 = arith.index_cast %scan3A_107 : i32 to index
          %swap3A_238 = arith.index_cast %mul3A_236 : i32 to index
          %swap3A_239 = tpu.vector_load %arg9[%swap3A_237, %swap3A_238] {strides = array<i32>} : memref<64x768xf32, #tpu.memory_space<vmem>>, vector<1x16xf32>,
          %swap3A_240 = vector.shape_cast %swap3A_239 : vector<1x16xf32> to vector<16xf32>
          %swap3A_241 = vector.shape_cast %get3A_234 : vector<16xf32> to vector<1x16xf32>
          tpu.vector_store %arg9[%swap3A_237, %swap3A_238], %swap3A_241 {add = true, strides = array<i32>} : memref<64x768xf32, #tpu.memory_space<vmem>>, vector<1x16xf32>,
          %scan3A_242 = arith.constant 0 : i32
          scf.yield %scan3A_242 : i32
        }
        %scan3A_115 = arith.constant 48 : i32
        %scan3A_116 = arith.constant 0 : i32
        scf.yield %scan3A_116 : i32
      }
      %scan3A_106 = arith.constant 64 : i32
    } else {
    }
    %add3A_43 = arith.constant 64 : i32
    %add3A_44 = arith.addi %mul3A_2, %add3A_43 : i32
    "tpu.region"() ({
      %run_scoped3A = tpu.sem_alloc : memref<!tpu.dma_semaphore, #tpu.memory_space<semaphore_mem>>
      %dma_start3A_87 = arith.constant 0 : i32
      %dma_start3A_88 = tpu.memref_slice %arg6[%add3A_44, %dma_start3A_87] : memref<8192x768xf32, #tpu.memory_space<hbm>> -> memref<64x768xf32, #tpu.memory_space<hbm>>
      %dma_start3A_89 = arith.constant 0 : i32
      %dma_start3A_90 = tpu.memref_slice %arg6[%add3A_44, %dma_start3A_89] : memref<8192x768xf32, #tpu.memory_space<hbm>> -> memref<64x768xf32, #tpu.memory_space<hbm>>
      tpu.enqueue_dma source(%arg9 : memref<64x768xf32, #tpu.memory_space<vmem>>) target(%dma_start3A_90 : memref<64x768xf32, #tpu.memory_space<hbm>>) target_semaphore(%run_scoped3A : memref<!tpu.dma_semaphore, #tpu.memory_space<semaphore_mem>>)
      %dma_wait3A_91 = arith.constant 0 : i32
      %dma_wait3A_92 = tpu.memref_slice %arg6[%add3A_44, %dma_wait3A_91] : memref<8192x768xf32, #tpu.memory_space<hbm>> -> memref<64x768xf32, #tpu.memory_space<hbm>>
      %dma_wait3A_93 = arith.constant 0 : i32
      %dma_wait3A_94 = tpu.memref_slice %arg6[%add3A_44, %dma_wait3A_93] : memref<8192x768xf32, #tpu.memory_space<hbm>> -> memref<64x768xf32, #tpu.memory_space<hbm>>
      tpu.wait_dma2 semaphore(%run_scoped3A : memref<!tpu.dma_semaphore, #tpu.memory_space<semaphore_mem>>) src(%arg9 : memref<64x768xf32, #tpu.memory_space<vmem>>) dst(%dma_wait3A_94 : memref<64x768xf32, #tpu.memory_space<hbm>>)
      tpu.yield
    }) : () -> ()
    %dma_start3A_45 = arith.constant 2 : i32
    %dma_start3A_46 = arith.constant 0 : i32
    %dma_start3A_47 = tpu.memref_slice %arg7[%dma_start3A_45, %dma_start3A_46] : memref<4x64xi32, #tpu.memory_space<vmem>> -> memref<1x64xi32, #tpu.memory_space<vmem>>
    %dma_start3A_48 = tpu.memref_squeeze %dma_start3A_47 : memref<1x64xi32, #tpu.memory_space<vmem>> -> memref<64xi32, #tpu.memory_space<vmem>>
    %dma_start3A_49 = arith.constant 0 : i32
    %dma_start3A_50 = arith.constant 0 : i32
    %dma_start3A_51 = tpu.memref_slice %arg4[%dma_start3A_49, %dma_start3A_50] : memref<4098x768xf32, #tpu.memory_space<hbm>> -> memref<4098x768xf32, #tpu.memory_space<hbm>>
    tpu.enqueue_indirect_dma source(%dma_start3A_51 : memref<4098x768xf32, #tpu.memory_space<hbm>>) target(%arg9 : memref<64x768xf32, #tpu.memory_space<vmem>>) offsets(%dma_start3A_48 : memref<64xi32, #tpu.memory_space<vmem>>) semaphore(%arg11 : memref<!tpu.dma_semaphore, #tpu.memory_space<semaphore_mem>>)
    %dma_wait3A_52 = arith.constant 2 : i32
    %dma_wait3A_53 = arith.constant 0 : i32
    %dma_wait3A_54 = tpu.memref_slice %arg7[%dma_wait3A_52, %dma_wait3A_53] : memref<4x64xi32, #tpu.memory_space<vmem>> -> memref<1x64xi32, #tpu.memory_space<vmem>>
    %dma_wait3A_55 = tpu.memref_squeeze %dma_wait3A_54 : memref<1x64xi32, #tpu.memory_space<vmem>> -> memref<64xi32, #tpu.memory_space<vmem>>
    %dma_wait3A_56 = arith.constant 0 : i32
    %dma_wait3A_57 = arith.constant 0 : i32
    %dma_wait3A_58 = tpu.memref_slice %arg4[%dma_wait3A_56, %dma_wait3A_57] : memref<4098x768xf32, #tpu.memory_space<hbm>> -> memref<4098x768xf32, #tpu.memory_space<hbm>>
    tpu.wait_indirect_dma semaphore(%arg11 : memref<!tpu.dma_semaphore, #tpu.memory_space<semaphore_mem>>) src(%dma_wait3A_58 : memref<4098x768xf32, #tpu.memory_space<hbm>>) dst(%arg9 : memref<64x768xf32, #tpu.memory_space<vmem>>)
    %lt3A_59 = arith.constant 8 : i32
    %lt3A_60 = arith.cmpi slt, %add3A, %lt3A_59 : i32
    %convert_element_type3A_61 = arith.extui %lt3A_60 : i1 to i32
    %cond3A_62 = arith.constant 0 : i32
    %cond3A_63 = arith.cmpi ne, %convert_element_type3A_61, %cond3A_62 : i32
    scf.if %cond3A_63 {
      %dma_start3A_87 = arith.constant 2 : i32
      %dma_start3A_88 = arith.constant 0 : i32
      %dma_start3A_89 = tpu.memref_slice %arg8[%dma_start3A_87, %dma_start3A_88] : memref<4x64xi32, #tpu.memory_space<vmem>> -> memref<1x64xi32, #tpu.memory_space<vmem>>
      %dma_start3A_90 = tpu.memref_squeeze %dma_start3A_89 : memref<1x64xi32, #tpu.memory_space<vmem>> -> memref<64xi32, #tpu.memory_space<vmem>>
      %dma_start3A_91 = arith.constant 0 : i32
      %dma_start3A_92 = arith.constant 0 : i32
      %dma_start3A_93 = tpu.memref_slice %arg5[%dma_start3A_91, %dma_start3A_92] : memref<31x768xf32, #tpu.memory_space<hbm>> -> memref<31x768xf32, #tpu.memory_space<hbm>>
      tpu.enqueue_indirect_dma source(%dma_start3A_93 : memref<31x768xf32, #tpu.memory_space<hbm>>) target(%arg10 : memref<64x768xf32, #tpu.memory_space<vmem>>) offsets(%dma_start3A_90 : memref<64xi32, #tpu.memory_space<vmem>>) semaphore(%arg12 : memref<!tpu.dma_semaphore, #tpu.memory_space<semaphore_mem>>)
      %dma_wait3A_94 = arith.constant 2 : i32
      %dma_wait3A_95 = arith.constant 0 : i32
      %dma_wait3A_96 = tpu.memref_slice %arg8[%dma_wait3A_94, %dma_wait3A_95] : memref<4x64xi32, #tpu.memory_space<vmem>> -> memref<1x64xi32, #tpu.memory_space<vmem>>
      %dma_wait3A_97 = tpu.memref_squeeze %dma_wait3A_96 : memref<1x64xi32, #tpu.memory_space<vmem>> -> memref<64xi32, #tpu.memory_space<vmem>>
      %dma_wait3A_98 = arith.constant 0 : i32
      %dma_wait3A_99 = arith.constant 0 : i32
      %dma_wait3A_100 = tpu.memref_slice %arg5[%dma_wait3A_98, %dma_wait3A_99] : memref<31x768xf32, #tpu.memory_space<hbm>> -> memref<31x768xf32, #tpu.memory_space<hbm>>
      tpu.wait_indirect_dma semaphore(%arg12 : memref<!tpu.dma_semaphore, #tpu.memory_space<semaphore_mem>>) src(%dma_wait3A_100 : memref<31x768xf32, #tpu.memory_space<hbm>>) dst(%arg10 : memref<64x768xf32, #tpu.memory_space<vmem>>)
      %scan3A = arith.constant 0 : i32
      %scan3A_101 = arith.constant 0 : i32
      %scan3A_102 = arith.constant 64 : i32
      %scan3A_103 = arith.addi %scan3A_101, %scan3A_102 : i32
      %scan3A_104 = arith.constant 1 : i32
      %scan3A_105 = scf.for %scan3A_107 = %scan3A_101 to %scan3A_103 step %scan3A_104 iter_args(%scan3A_108 = %scan3A) -> (i32)  : i32 {
        %scan3A_109 = arith.constant 0 : i32
        %scan3A_110 = arith.constant 0 : i32
        %scan3A_111 = arith.constant 48 : i32
        %scan3A_112 = arith.addi %scan3A_110, %scan3A_111 : i32
        %scan3A_113 = arith.constant 8 : i32
        %scan3A_114 = scf.for %scan3A_117 = %scan3A_110 to %scan3A_112 step %scan3A_113 iter_args(%scan3A_118 = %scan3A_109) -> (i32)  : i32 {
          %mul3A_119 = arith.constant 16 : i32
          %mul3A_120 = arith.muli %scan3A_117, %mul3A_119 : i32
          %get3A = arith.index_cast %scan3A_107 : i32 to index
          %get3A_121 = arith.index_cast %mul3A_120 : i32 to index
          %get3A_122 = tpu.vector_load %arg10[%get3A, %get3A_121] {strides = array<i32>} : memref<64x768xf32, #tpu.memory_space<vmem>>, vector<1x16xf32>,
          %get3A_123 = vector.shape_cast %get3A_122 : vector<1x16xf32> to vector<16xf32>
          %mul3A_124 = arith.constant 16 : i32
          %mul3A_125 = arith.muli %scan3A_117, %mul3A_124 : i32
          %swap3A = arith.index_cast %scan3A_107 : i32 to index
          %swap3A_126 = arith.index_cast %mul3A_125 : i32 to index
          %swap3A_127 = tpu.vector_load %arg9[%swap3A, %swap3A_126] {strides = array<i32>} : memref<64x768xf32, #tpu.memory_space<vmem>>, vector<1x16xf32>,
          %swap3A_128 = vector.shape_cast %swap3A_127 : vector<1x16xf32> to vector<16xf32>
          %swap3A_129 = vector.shape_cast %get3A_123 : vector<16xf32> to vector<1x16xf32>
          tpu.vector_store %arg9[%swap3A, %swap3A_126], %swap3A_129 {add = true, strides = array<i32>} : memref<64x768xf32, #tpu.memory_space<vmem>>, vector<1x16xf32>,
          %scan3A_130 = arith.constant 0 : i32
          %scan3A_131 = arith.constant 1 : i32
          %scan3A_132 = arith.addi %scan3A_117, %scan3A_131 : i32
          %mul3A_133 = arith.constant 16 : i32
          %mul3A_134 = arith.muli %scan3A_132, %mul3A_133 : i32
          %get3A_135 = arith.index_cast %scan3A_107 : i32 to index
          %get3A_136 = arith.index_cast %mul3A_134 : i32 to index
          %get3A_137 = tpu.vector_load %arg10[%get3A_135, %get3A_136] {strides = array<i32>} : memref<64x768xf32, #tpu.memory_space<vmem>>, vector<1x16xf32>,
          %get3A_138 = vector.shape_cast %get3A_137 : vector<1x16xf32> to vector<16xf32>
          %mul3A_139 = arith.constant 16 : i32
          %mul3A_140 = arith.muli %scan3A_132, %mul3A_139 : i32
          %swap3A_141 = arith.index_cast %scan3A_107 : i32 to index
          %swap3A_142 = arith.index_cast %mul3A_140 : i32 to index
          %swap3A_143 = tpu.vector_load %arg9[%swap3A_141, %swap3A_142] {strides = array<i32>} : memref<64x768xf32, #tpu.memory_space<vmem>>, vector<1x16xf32>,
          %swap3A_144 = vector.shape_cast %swap3A_143 : vector<1x16xf32> to vector<16xf32>
          %swap3A_145 = vector.shape_cast %get3A_138 : vector<16xf32> to vector<1x16xf32>
          tpu.vector_store %arg9[%swap3A_141, %swap3A_142], %swap3A_145 {add = true, strides = array<i32>} : memref<64x768xf32, #tpu.memory_space<vmem>>, vector<1x16xf32>,
          %scan3A_146 = arith.constant 0 : i32
          %scan3A_147 = arith.constant 2 : i32
          %scan3A_148 = arith.addi %scan3A_117, %scan3A_147 : i32
          %mul3A_149 = arith.constant 16 : i32
          %mul3A_150 = arith.muli %scan3A_148, %mul3A_149 : i32
          %get3A_151 = arith.index_cast %scan3A_107 : i32 to index
          %get3A_152 = arith.index_cast %mul3A_150 : i32 to index
          %get3A_153 = tpu.vector_load %arg10[%get3A_151, %get3A_152] {strides = array<i32>} : memref<64x768xf32, #tpu.memory_space<vmem>>, vector<1x16xf32>,
          %get3A_154 = vector.shape_cast %get3A_153 : vector<1x16xf32> to vector<16xf32>
          %mul3A_155 = arith.constant 16 : i32
          %mul3A_156 = arith.muli %scan3A_148, %mul3A_155 : i32
          %swap3A_157 = arith.index_cast %scan3A_107 : i32 to index
          %swap3A_158 = arith.index_cast %mul3A_156 : i32 to index
          %swap3A_159 = tpu.vector_load %arg9[%swap3A_157, %swap3A_158] {strides = array<i32>} : memref<64x768xf32, #tpu.memory_space<vmem>>, vector<1x16xf32>,
          %swap3A_160 = vector.shape_cast %swap3A_159 : vector<1x16xf32> to vector<16xf32>
          %swap3A_161 = vector.shape_cast %get3A_154 : vector<16xf32> to vector<1x16xf32>
          tpu.vector_store %arg9[%swap3A_157, %swap3A_158], %swap3A_161 {add = true, strides = array<i32>} : memref<64x768xf32, #tpu.memory_space<vmem>>, vector<1x16xf32>,
          %scan3A_162 = arith.constant 0 : i32
          %scan3A_163 = arith.constant 3 : i32
          %scan3A_164 = arith.addi %scan3A_117, %scan3A_163 : i32
          %mul3A_165 = arith.constant 16 : i32
          %mul3A_166 = arith.muli %scan3A_164, %mul3A_165 : i32
          %get3A_167 = arith.index_cast %scan3A_107 : i32 to index
          %get3A_168 = arith.index_cast %mul3A_166 : i32 to index
          %get3A_169 = tpu.vector_load %arg10[%get3A_167, %get3A_168] {strides = array<i32>} : memref<64x768xf32, #tpu.memory_space<vmem>>, vector<1x16xf32>,
          %get3A_170 = vector.shape_cast %get3A_169 : vector<1x16xf32> to vector<16xf32>
          %mul3A_171 = arith.constant 16 : i32
          %mul3A_172 = arith.muli %scan3A_164, %mul3A_171 : i32
          %swap3A_173 = arith.index_cast %scan3A_107 : i32 to index
          %swap3A_174 = arith.index_cast %mul3A_172 : i32 to index
          %swap3A_175 = tpu.vector_load %arg9[%swap3A_173, %swap3A_174] {strides = array<i32>} : memref<64x768xf32, #tpu.memory_space<vmem>>, vector<1x16xf32>,
          %swap3A_176 = vector.shape_cast %swap3A_175 : vector<1x16xf32> to vector<16xf32>
          %swap3A_177 = vector.shape_cast %get3A_170 : vector<16xf32> to vector<1x16xf32>
          tpu.vector_store %arg9[%swap3A_173, %swap3A_174], %swap3A_177 {add = true, strides = array<i32>} : memref<64x768xf32, #tpu.memory_space<vmem>>, vector<1x16xf32>,
          %scan3A_178 = arith.constant 0 : i32
          %scan3A_179 = arith.constant 4 : i32
          %scan3A_180 = arith.addi %scan3A_117, %scan3A_179 : i32
          %mul3A_181 = arith.constant 16 : i32
          %mul3A_182 = arith.muli %scan3A_180, %mul3A_181 : i32
          %get3A_183 = arith.index_cast %scan3A_107 : i32 to index
          %get3A_184 = arith.index_cast %mul3A_182 : i32 to index
          %get3A_185 = tpu.vector_load %arg10[%get3A_183, %get3A_184] {strides = array<i32>} : memref<64x768xf32, #tpu.memory_space<vmem>>, vector<1x16xf32>,
          %get3A_186 = vector.shape_cast %get3A_185 : vector<1x16xf32> to vector<16xf32>
          %mul3A_187 = arith.constant 16 : i32
          %mul3A_188 = arith.muli %scan3A_180, %mul3A_187 : i32
          %swap3A_189 = arith.index_cast %scan3A_107 : i32 to index
          %swap3A_190 = arith.index_cast %mul3A_188 : i32 to index
          %swap3A_191 = tpu.vector_load %arg9[%swap3A_189, %swap3A_190] {strides = array<i32>} : memref<64x768xf32, #tpu.memory_space<vmem>>, vector<1x16xf32>,
          %swap3A_192 = vector.shape_cast %swap3A_191 : vector<1x16xf32> to vector<16xf32>
          %swap3A_193 = vector.shape_cast %get3A_186 : vector<16xf32> to vector<1x16xf32>
          tpu.vector_store %arg9[%swap3A_189, %swap3A_190], %swap3A_193 {add = true, strides = array<i32>} : memref<64x768xf32, #tpu.memory_space<vmem>>, vector<1x16xf32>,
          %scan3A_194 = arith.constant 0 : i32
          %scan3A_195 = arith.constant 5 : i32
          %scan3A_196 = arith.addi %scan3A_117, %scan3A_195 : i32
          %mul3A_197 = arith.constant 16 : i32
          %mul3A_198 = arith.muli %scan3A_196, %mul3A_197 : i32
          %get3A_199 = arith.index_cast %scan3A_107 : i32 to index
          %get3A_200 = arith.index_cast %mul3A_198 : i32 to index
          %get3A_201 = tpu.vector_load %arg10[%get3A_199, %get3A_200] {strides = array<i32>} : memref<64x768xf32, #tpu.memory_space<vmem>>, vector<1x16xf32>,
          %get3A_202 = vector.shape_cast %get3A_201 : vector<1x16xf32> to vector<16xf32>
          %mul3A_203 = arith.constant 16 : i32
          %mul3A_204 = arith.muli %scan3A_196, %mul3A_203 : i32
          %swap3A_205 = arith.index_cast %scan3A_107 : i32 to index
          %swap3A_206 = arith.index_cast %mul3A_204 : i32 to index
          %swap3A_207 = tpu.vector_load %arg9[%swap3A_205, %swap3A_206] {strides = array<i32>} : memref<64x768xf32, #tpu.memory_space<vmem>>, vector<1x16xf32>,
          %swap3A_208 = vector.shape_cast %swap3A_207 : vector<1x16xf32> to vector<16xf32>
          %swap3A_209 = vector.shape_cast %get3A_202 : vector<16xf32> to vector<1x16xf32>
          tpu.vector_store %arg9[%swap3A_205, %swap3A_206], %swap3A_209 {add = true, strides = array<i32>} : memref<64x768xf32, #tpu.memory_space<vmem>>, vector<1x16xf32>,
          %scan3A_210 = arith.constant 0 : i32
          %scan3A_211 = arith.constant 6 : i32
          %scan3A_212 = arith.addi %scan3A_117, %scan3A_211 : i32
          %mul3A_213 = arith.constant 16 : i32
          %mul3A_214 = arith.muli %scan3A_212, %mul3A_213 : i32
          %get3A_215 = arith.index_cast %scan3A_107 : i32 to index
          %get3A_216 = arith.index_cast %mul3A_214 : i32 to index
          %get3A_217 = tpu.vector_load %arg10[%get3A_215, %get3A_216] {strides = array<i32>} : memref<64x768xf32, #tpu.memory_space<vmem>>, vector<1x16xf32>,
          %get3A_218 = vector.shape_cast %get3A_217 : vector<1x16xf32> to vector<16xf32>
          %mul3A_219 = arith.constant 16 : i32
          %mul3A_220 = arith.muli %scan3A_212, %mul3A_219 : i32
          %swap3A_221 = arith.index_cast %scan3A_107 : i32 to index
          %swap3A_222 = arith.index_cast %mul3A_220 : i32 to index
          %swap3A_223 = tpu.vector_load %arg9[%swap3A_221, %swap3A_222] {strides = array<i32>} : memref<64x768xf32, #tpu.memory_space<vmem>>, vector<1x16xf32>,
          %swap3A_224 = vector.shape_cast %swap3A_223 : vector<1x16xf32> to vector<16xf32>
          %swap3A_225 = vector.shape_cast %get3A_218 : vector<16xf32> to vector<1x16xf32>
          tpu.vector_store %arg9[%swap3A_221, %swap3A_222], %swap3A_225 {add = true, strides = array<i32>} : memref<64x768xf32, #tpu.memory_space<vmem>>, vector<1x16xf32>,
          %scan3A_226 = arith.constant 0 : i32
          %scan3A_227 = arith.constant 7 : i32
          %scan3A_228 = arith.addi %scan3A_117, %scan3A_227 : i32
          %mul3A_229 = arith.constant 16 : i32
          %mul3A_230 = arith.muli %scan3A_228, %mul3A_229 : i32
          %get3A_231 = arith.index_cast %scan3A_107 : i32 to index
          %get3A_232 = arith.index_cast %mul3A_230 : i32 to index
          %get3A_233 = tpu.vector_load %arg10[%get3A_231, %get3A_232] {strides = array<i32>} : memref<64x768xf32, #tpu.memory_space<vmem>>, vector<1x16xf32>,
          %get3A_234 = vector.shape_cast %get3A_233 : vector<1x16xf32> to vector<16xf32>
          %mul3A_235 = arith.constant 16 : i32
          %mul3A_236 = arith.muli %scan3A_228, %mul3A_235 : i32
          %swap3A_237 = arith.index_cast %scan3A_107 : i32 to index
          %swap3A_238 = arith.index_cast %mul3A_236 : i32 to index
          %swap3A_239 = tpu.vector_load %arg9[%swap3A_237, %swap3A_238] {strides = array<i32>} : memref<64x768xf32, #tpu.memory_space<vmem>>, vector<1x16xf32>,
          %swap3A_240 = vector.shape_cast %swap3A_239 : vector<1x16xf32> to vector<16xf32>
          %swap3A_241 = vector.shape_cast %get3A_234 : vector<16xf32> to vector<1x16xf32>
          tpu.vector_store %arg9[%swap3A_237, %swap3A_238], %swap3A_241 {add = true, strides = array<i32>} : memref<64x768xf32, #tpu.memory_space<vmem>>, vector<1x16xf32>,
          %scan3A_242 = arith.constant 0 : i32
          scf.yield %scan3A_242 : i32
        }
        %scan3A_115 = arith.constant 48 : i32
        %scan3A_116 = arith.constant 0 : i32
        scf.yield %scan3A_116 : i32
      }
      %scan3A_106 = arith.constant 64 : i32
    } else {
    }
    %add3A_64 = arith.constant 128 : i32
    %add3A_65 = arith.addi %mul3A_2, %add3A_64 : i32
    "tpu.region"() ({
      %run_scoped3A = tpu.sem_alloc : memref<!tpu.dma_semaphore, #tpu.memory_space<semaphore_mem>>
      %dma_start3A_87 = arith.constant 0 : i32
      %dma_start3A_88 = tpu.memref_slice %arg6[%add3A_65, %dma_start3A_87] : memref<8192x768xf32, #tpu.memory_space<hbm>> -> memref<64x768xf32, #tpu.memory_space<hbm>>
      %dma_start3A_89 = arith.constant 0 : i32
      %dma_start3A_90 = tpu.memref_slice %arg6[%add3A_65, %dma_start3A_89] : memref<8192x768xf32, #tpu.memory_space<hbm>> -> memref<64x768xf32, #tpu.memory_space<hbm>>
      tpu.enqueue_dma source(%arg9 : memref<64x768xf32, #tpu.memory_space<vmem>>) target(%dma_start3A_90 : memref<64x768xf32, #tpu.memory_space<hbm>>) target_semaphore(%run_scoped3A : memref<!tpu.dma_semaphore, #tpu.memory_space<semaphore_mem>>)
      %dma_wait3A_91 = arith.constant 0 : i32
      %dma_wait3A_92 = tpu.memref_slice %arg6[%add3A_65, %dma_wait3A_91] : memref<8192x768xf32, #tpu.memory_space<hbm>> -> memref<64x768xf32, #tpu.memory_space<hbm>>
      %dma_wait3A_93 = arith.constant 0 : i32
      %dma_wait3A_94 = tpu.memref_slice %arg6[%add3A_65, %dma_wait3A_93] : memref<8192x768xf32, #tpu.memory_space<hbm>> -> memref<64x768xf32, #tpu.memory_space<hbm>>
      tpu.wait_dma2 semaphore(%run_scoped3A : memref<!tpu.dma_semaphore, #tpu.memory_space<semaphore_mem>>) src(%arg9 : memref<64x768xf32, #tpu.memory_space<vmem>>) dst(%dma_wait3A_94 : memref<64x768xf32, #tpu.memory_space<hbm>>)
      tpu.yield
    }) : () -> ()
    %dma_start3A_66 = arith.constant 3 : i32
    %dma_start3A_67 = arith.constant 0 : i32
    %dma_start3A_68 = tpu.memref_slice %arg7[%dma_start3A_66, %dma_start3A_67] : memref<4x64xi32, #tpu.memory_space<vmem>> -> memref<1x64xi32, #tpu.memory_space<vmem>>
    %dma_start3A_69 = tpu.memref_squeeze %dma_start3A_68 : memref<1x64xi32, #tpu.memory_space<vmem>> -> memref<64xi32, #tpu.memory_space<vmem>>
    %dma_start3A_70 = arith.constant 0 : i32
    %dma_start3A_71 = arith.constant 0 : i32
    %dma_start3A_72 = tpu.memref_slice %arg4[%dma_start3A_70, %dma_start3A_71] : memref<4098x768xf32, #tpu.memory_space<hbm>> -> memref<4098x768xf32, #tpu.memory_space<hbm>>
    tpu.enqueue_indirect_dma source(%dma_start3A_72 : memref<4098x768xf32, #tpu.memory_space<hbm>>) target(%arg9 : memref<64x768xf32, #tpu.memory_space<vmem>>) offsets(%dma_start3A_69 : memref<64xi32, #tpu.memory_space<vmem>>) semaphore(%arg11 : memref<!tpu.dma_semaphore, #tpu.memory_space<semaphore_mem>>)
    %dma_wait3A_73 = arith.constant 3 : i32
    %dma_wait3A_74 = arith.constant 0 : i32
    %dma_wait3A_75 = tpu.memref_slice %arg7[%dma_wait3A_73, %dma_wait3A_74] : memref<4x64xi32, #tpu.memory_space<vmem>> -> memref<1x64xi32, #tpu.memory_space<vmem>>
    %dma_wait3A_76 = tpu.memref_squeeze %dma_wait3A_75 : memref<1x64xi32, #tpu.memory_space<vmem>> -> memref<64xi32, #tpu.memory_space<vmem>>
    %dma_wait3A_77 = arith.constant 0 : i32
    %dma_wait3A_78 = arith.constant 0 : i32
    %dma_wait3A_79 = tpu.memref_slice %arg4[%dma_wait3A_77, %dma_wait3A_78] : memref<4098x768xf32, #tpu.memory_space<hbm>> -> memref<4098x768xf32, #tpu.memory_space<hbm>>
    tpu.wait_indirect_dma semaphore(%arg11 : memref<!tpu.dma_semaphore, #tpu.memory_space<semaphore_mem>>) src(%dma_wait3A_79 : memref<4098x768xf32, #tpu.memory_space<hbm>>) dst(%arg9 : memref<64x768xf32, #tpu.memory_space<vmem>>)
    %lt3A_80 = arith.constant 8 : i32
    %lt3A_81 = arith.cmpi slt, %add3A, %lt3A_80 : i32
    %convert_element_type3A_82 = arith.extui %lt3A_81 : i1 to i32
    %cond3A_83 = arith.constant 0 : i32
    %cond3A_84 = arith.cmpi ne, %convert_element_type3A_82, %cond3A_83 : i32
    scf.if %cond3A_84 {
      %dma_start3A_87 = arith.constant 3 : i32
      %dma_start3A_88 = arith.constant 0 : i32
      %dma_start3A_89 = tpu.memref_slice %arg8[%dma_start3A_87, %dma_start3A_88] : memref<4x64xi32, #tpu.memory_space<vmem>> -> memref<1x64xi32, #tpu.memory_space<vmem>>
      %dma_start3A_90 = tpu.memref_squeeze %dma_start3A_89 : memref<1x64xi32, #tpu.memory_space<vmem>> -> memref<64xi32, #tpu.memory_space<vmem>>
      %dma_start3A_91 = arith.constant 0 : i32
      %dma_start3A_92 = arith.constant 0 : i32
      %dma_start3A_93 = tpu.memref_slice %arg5[%dma_start3A_91, %dma_start3A_92] : memref<31x768xf32, #tpu.memory_space<hbm>> -> memref<31x768xf32, #tpu.memory_space<hbm>>
      tpu.enqueue_indirect_dma source(%dma_start3A_93 : memref<31x768xf32, #tpu.memory_space<hbm>>) target(%arg10 : memref<64x768xf32, #tpu.memory_space<vmem>>) offsets(%dma_start3A_90 : memref<64xi32, #tpu.memory_space<vmem>>) semaphore(%arg12 : memref<!tpu.dma_semaphore, #tpu.memory_space<semaphore_mem>>)
      %dma_wait3A_94 = arith.constant 3 : i32
      %dma_wait3A_95 = arith.constant 0 : i32
      %dma_wait3A_96 = tpu.memref_slice %arg8[%dma_wait3A_94, %dma_wait3A_95] : memref<4x64xi32, #tpu.memory_space<vmem>> -> memref<1x64xi32, #tpu.memory_space<vmem>>
      %dma_wait3A_97 = tpu.memref_squeeze %dma_wait3A_96 : memref<1x64xi32, #tpu.memory_space<vmem>> -> memref<64xi32, #tpu.memory_space<vmem>>
      %dma_wait3A_98 = arith.constant 0 : i32
      %dma_wait3A_99 = arith.constant 0 : i32
      %dma_wait3A_100 = tpu.memref_slice %arg5[%dma_wait3A_98, %dma_wait3A_99] : memref<31x768xf32, #tpu.memory_space<hbm>> -> memref<31x768xf32, #tpu.memory_space<hbm>>
      tpu.wait_indirect_dma semaphore(%arg12 : memref<!tpu.dma_semaphore, #tpu.memory_space<semaphore_mem>>) src(%dma_wait3A_100 : memref<31x768xf32, #tpu.memory_space<hbm>>) dst(%arg10 : memref<64x768xf32, #tpu.memory_space<vmem>>)
      %scan3A = arith.constant 0 : i32
      %scan3A_101 = arith.constant 0 : i32
      %scan3A_102 = arith.constant 64 : i32
      %scan3A_103 = arith.addi %scan3A_101, %scan3A_102 : i32
      %scan3A_104 = arith.constant 1 : i32
      %scan3A_105 = scf.for %scan3A_107 = %scan3A_101 to %scan3A_103 step %scan3A_104 iter_args(%scan3A_108 = %scan3A) -> (i32)  : i32 {
        %scan3A_109 = arith.constant 0 : i32
        %scan3A_110 = arith.constant 0 : i32
        %scan3A_111 = arith.constant 48 : i32
        %scan3A_112 = arith.addi %scan3A_110, %scan3A_111 : i32
        %scan3A_113 = arith.constant 8 : i32
        %scan3A_114 = scf.for %scan3A_117 = %scan3A_110 to %scan3A_112 step %scan3A_113 iter_args(%scan3A_118 = %scan3A_109) -> (i32)  : i32 {
          %mul3A_119 = arith.constant 16 : i32
          %mul3A_120 = arith.muli %scan3A_117, %mul3A_119 : i32
          %get3A = arith.index_cast %scan3A_107 : i32 to index
          %get3A_121 = arith.index_cast %mul3A_120 : i32 to index
          %get3A_122 = tpu.vector_load %arg10[%get3A, %get3A_121] {strides = array<i32>} : memref<64x768xf32, #tpu.memory_space<vmem>>, vector<1x16xf32>,
          %get3A_123 = vector.shape_cast %get3A_122 : vector<1x16xf32> to vector<16xf32>
          %mul3A_124 = arith.constant 16 : i32
          %mul3A_125 = arith.muli %scan3A_117, %mul3A_124 : i32
          %swap3A = arith.index_cast %scan3A_107 : i32 to index
          %swap3A_126 = arith.index_cast %mul3A_125 : i32 to index
          %swap3A_127 = tpu.vector_load %arg9[%swap3A, %swap3A_126] {strides = array<i32>} : memref<64x768xf32, #tpu.memory_space<vmem>>, vector<1x16xf32>,
          %swap3A_128 = vector.shape_cast %swap3A_127 : vector<1x16xf32> to vector<16xf32>
          %swap3A_129 = vector.shape_cast %get3A_123 : vector<16xf32> to vector<1x16xf32>
          tpu.vector_store %arg9[%swap3A, %swap3A_126], %swap3A_129 {add = true, strides = array<i32>} : memref<64x768xf32, #tpu.memory_space<vmem>>, vector<1x16xf32>,
          %scan3A_130 = arith.constant 0 : i32
          %scan3A_131 = arith.constant 1 : i32
          %scan3A_132 = arith.addi %scan3A_117, %scan3A_131 : i32
          %mul3A_133 = arith.constant 16 : i32
          %mul3A_134 = arith.muli %scan3A_132, %mul3A_133 : i32
          %get3A_135 = arith.index_cast %scan3A_107 : i32 to index
          %get3A_136 = arith.index_cast %mul3A_134 : i32 to index
          %get3A_137 = tpu.vector_load %arg10[%get3A_135, %get3A_136] {strides = array<i32>} : memref<64x768xf32, #tpu.memory_space<vmem>>, vector<1x16xf32>,
          %get3A_138 = vector.shape_cast %get3A_137 : vector<1x16xf32> to vector<16xf32>
          %mul3A_139 = arith.constant 16 : i32
          %mul3A_140 = arith.muli %scan3A_132, %mul3A_139 : i32
          %swap3A_141 = arith.index_cast %scan3A_107 : i32 to index
          %swap3A_142 = arith.index_cast %mul3A_140 : i32 to index
          %swap3A_143 = tpu.vector_load %arg9[%swap3A_141, %swap3A_142] {strides = array<i32>} : memref<64x768xf32, #tpu.memory_space<vmem>>, vector<1x16xf32>,
          %swap3A_144 = vector.shape_cast %swap3A_143 : vector<1x16xf32> to vector<16xf32>
          %swap3A_145 = vector.shape_cast %get3A_138 : vector<16xf32> to vector<1x16xf32>
          tpu.vector_store %arg9[%swap3A_141, %swap3A_142], %swap3A_145 {add = true, strides = array<i32>} : memref<64x768xf32, #tpu.memory_space<vmem>>, vector<1x16xf32>,
          %scan3A_146 = arith.constant 0 : i32
          %scan3A_147 = arith.constant 2 : i32
          %scan3A_148 = arith.addi %scan3A_117, %scan3A_147 : i32
          %mul3A_149 = arith.constant 16 : i32
          %mul3A_150 = arith.muli %scan3A_148, %mul3A_149 : i32
          %get3A_151 = arith.index_cast %scan3A_107 : i32 to index
          %get3A_152 = arith.index_cast %mul3A_150 : i32 to index
          %get3A_153 = tpu.vector_load %arg10[%get3A_151, %get3A_152] {strides = array<i32>} : memref<64x768xf32, #tpu.memory_space<vmem>>, vector<1x16xf32>,
          %get3A_154 = vector.shape_cast %get3A_153 : vector<1x16xf32> to vector<16xf32>
          %mul3A_155 = arith.constant 16 : i32
          %mul3A_156 = arith.muli %scan3A_148, %mul3A_155 : i32
          %swap3A_157 = arith.index_cast %scan3A_107 : i32 to index
          %swap3A_158 = arith.index_cast %mul3A_156 : i32 to index
          %swap3A_159 = tpu.vector_load %arg9[%swap3A_157, %swap3A_158] {strides = array<i32>} : memref<64x768xf32, #tpu.memory_space<vmem>>, vector<1x16xf32>,
          %swap3A_160 = vector.shape_cast %swap3A_159 : vector<1x16xf32> to vector<16xf32>
          %swap3A_161 = vector.shape_cast %get3A_154 : vector<16xf32> to vector<1x16xf32>
          tpu.vector_store %arg9[%swap3A_157, %swap3A_158], %swap3A_161 {add = true, strides = array<i32>} : memref<64x768xf32, #tpu.memory_space<vmem>>, vector<1x16xf32>,
          %scan3A_162 = arith.constant 0 : i32
          %scan3A_163 = arith.constant 3 : i32
          %scan3A_164 = arith.addi %scan3A_117, %scan3A_163 : i32
          %mul3A_165 = arith.constant 16 : i32
          %mul3A_166 = arith.muli %scan3A_164, %mul3A_165 : i32
          %get3A_167 = arith.index_cast %scan3A_107 : i32 to index
          %get3A_168 = arith.index_cast %mul3A_166 : i32 to index
          %get3A_169 = tpu.vector_load %arg10[%get3A_167, %get3A_168] {strides = array<i32>} : memref<64x768xf32, #tpu.memory_space<vmem>>, vector<1x16xf32>,
          %get3A_170 = vector.shape_cast %get3A_169 : vector<1x16xf32> to vector<16xf32>
          %mul3A_171 = arith.constant 16 : i32
          %mul3A_172 = arith.muli %scan3A_164, %mul3A_171 : i32
          %swap3A_173 = arith.index_cast %scan3A_107 : i32 to index
          %swap3A_174 = arith.index_cast %mul3A_172 : i32 to index
          %swap3A_175 = tpu.vector_load %arg9[%swap3A_173, %swap3A_174] {strides = array<i32>} : memref<64x768xf32, #tpu.memory_space<vmem>>, vector<1x16xf32>,
          %swap3A_176 = vector.shape_cast %swap3A_175 : vector<1x16xf32> to vector<16xf32>
          %swap3A_177 = vector.shape_cast %get3A_170 : vector<16xf32> to vector<1x16xf32>
          tpu.vector_store %arg9[%swap3A_173, %swap3A_174], %swap3A_177 {add = true, strides = array<i32>} : memref<64x768xf32, #tpu.memory_space<vmem>>, vector<1x16xf32>,
          %scan3A_178 = arith.constant 0 : i32
          %scan3A_179 = arith.constant 4 : i32
          %scan3A_180 = arith.addi %scan3A_117, %scan3A_179 : i32
          %mul3A_181 = arith.constant 16 : i32
          %mul3A_182 = arith.muli %scan3A_180, %mul3A_181 : i32
          %get3A_183 = arith.index_cast %scan3A_107 : i32 to index
          %get3A_184 = arith.index_cast %mul3A_182 : i32 to index
          %get3A_185 = tpu.vector_load %arg10[%get3A_183, %get3A_184] {strides = array<i32>} : memref<64x768xf32, #tpu.memory_space<vmem>>, vector<1x16xf32>,
          %get3A_186 = vector.shape_cast %get3A_185 : vector<1x16xf32> to vector<16xf32>
          %mul3A_187 = arith.constant 16 : i32
          %mul3A_188 = arith.muli %scan3A_180, %mul3A_187 : i32
          %swap3A_189 = arith.index_cast %scan3A_107 : i32 to index
          %swap3A_190 = arith.index_cast %mul3A_188 : i32 to index
          %swap3A_191 = tpu.vector_load %arg9[%swap3A_189, %swap3A_190] {strides = array<i32>} : memref<64x768xf32, #tpu.memory_space<vmem>>, vector<1x16xf32>,
          %swap3A_192 = vector.shape_cast %swap3A_191 : vector<1x16xf32> to vector<16xf32>
          %swap3A_193 = vector.shape_cast %get3A_186 : vector<16xf32> to vector<1x16xf32>
          tpu.vector_store %arg9[%swap3A_189, %swap3A_190], %swap3A_193 {add = true, strides = array<i32>} : memref<64x768xf32, #tpu.memory_space<vmem>>, vector<1x16xf32>,
          %scan3A_194 = arith.constant 0 : i32
          %scan3A_195 = arith.constant 5 : i32
          %scan3A_196 = arith.addi %scan3A_117, %scan3A_195 : i32
          %mul3A_197 = arith.constant 16 : i32
          %mul3A_198 = arith.muli %scan3A_196, %mul3A_197 : i32
          %get3A_199 = arith.index_cast %scan3A_107 : i32 to index
          %get3A_200 = arith.index_cast %mul3A_198 : i32 to index
          %get3A_201 = tpu.vector_load %arg10[%get3A_199, %get3A_200] {strides = array<i32>} : memref<64x768xf32, #tpu.memory_space<vmem>>, vector<1x16xf32>,
          %get3A_202 = vector.shape_cast %get3A_201 : vector<1x16xf32> to vector<16xf32>
          %mul3A_203 = arith.constant 16 : i32
          %mul3A_204 = arith.muli %scan3A_196, %mul3A_203 : i32
          %swap3A_205 = arith.index_cast %scan3A_107 : i32 to index
          %swap3A_206 = arith.index_cast %mul3A_204 : i32 to index
          %swap3A_207 = tpu.vector_load %arg9[%swap3A_205, %swap3A_206] {strides = array<i32>} : memref<64x768xf32, #tpu.memory_space<vmem>>, vector<1x16xf32>,
          %swap3A_208 = vector.shape_cast %swap3A_207 : vector<1x16xf32> to vector<16xf32>
          %swap3A_209 = vector.shape_cast %get3A_202 : vector<16xf32> to vector<1x16xf32>
          tpu.vector_store %arg9[%swap3A_205, %swap3A_206], %swap3A_209 {add = true, strides = array<i32>} : memref<64x768xf32, #tpu.memory_space<vmem>>, vector<1x16xf32>,
          %scan3A_210 = arith.constant 0 : i32
          %scan3A_211 = arith.constant 6 : i32
          %scan3A_212 = arith.addi %scan3A_117, %scan3A_211 : i32
          %mul3A_213 = arith.constant 16 : i32
          %mul3A_214 = arith.muli %scan3A_212, %mul3A_213 : i32
          %get3A_215 = arith.index_cast %scan3A_107 : i32 to index
          %get3A_216 = arith.index_cast %mul3A_214 : i32 to index
          %get3A_217 = tpu.vector_load %arg10[%get3A_215, %get3A_216] {strides = array<i32>} : memref<64x768xf32, #tpu.memory_space<vmem>>, vector<1x16xf32>,
          %get3A_218 = vector.shape_cast %get3A_217 : vector<1x16xf32> to vector<16xf32>
          %mul3A_219 = arith.constant 16 : i32
          %mul3A_220 = arith.muli %scan3A_212, %mul3A_219 : i32
          %swap3A_221 = arith.index_cast %scan3A_107 : i32 to index
          %swap3A_222 = arith.index_cast %mul3A_220 : i32 to index
          %swap3A_223 = tpu.vector_load %arg9[%swap3A_221, %swap3A_222] {strides = array<i32>} : memref<64x768xf32, #tpu.memory_space<vmem>>, vector<1x16xf32>,
          %swap3A_224 = vector.shape_cast %swap3A_223 : vector<1x16xf32> to vector<16xf32>
          %swap3A_225 = vector.shape_cast %get3A_218 : vector<16xf32> to vector<1x16xf32>
          tpu.vector_store %arg9[%swap3A_221, %swap3A_222], %swap3A_225 {add = true, strides = array<i32>} : memref<64x768xf32, #tpu.memory_space<vmem>>, vector<1x16xf32>,
          %scan3A_226 = arith.constant 0 : i32
          %scan3A_227 = arith.constant 7 : i32
          %scan3A_228 = arith.addi %scan3A_117, %scan3A_227 : i32
          %mul3A_229 = arith.constant 16 : i32
          %mul3A_230 = arith.muli %scan3A_228, %mul3A_229 : i32
          %get3A_231 = arith.index_cast %scan3A_107 : i32 to index
          %get3A_232 = arith.index_cast %mul3A_230 : i32 to index
          %get3A_233 = tpu.vector_load %arg10[%get3A_231, %get3A_232] {strides = array<i32>} : memref<64x768xf32, #tpu.memory_space<vmem>>, vector<1x16xf32>,
          %get3A_234 = vector.shape_cast %get3A_233 : vector<1x16xf32> to vector<16xf32>
          %mul3A_235 = arith.constant 16 : i32
          %mul3A_236 = arith.muli %scan3A_228, %mul3A_235 : i32
          %swap3A_237 = arith.index_cast %scan3A_107 : i32 to index
          %swap3A_238 = arith.index_cast %mul3A_236 : i32 to index
          %swap3A_239 = tpu.vector_load %arg9[%swap3A_237, %swap3A_238] {strides = array<i32>} : memref<64x768xf32, #tpu.memory_space<vmem>>, vector<1x16xf32>,
          %swap3A_240 = vector.shape_cast %swap3A_239 : vector<1x16xf32> to vector<16xf32>
          %swap3A_241 = vector.shape_cast %get3A_234 : vector<16xf32> to vector<1x16xf32>
          tpu.vector_store %arg9[%swap3A_237, %swap3A_238], %swap3A_241 {add = true, strides = array<i32>} : memref<64x768xf32, #tpu.memory_space<vmem>>, vector<1x16xf32>,
          %scan3A_242 = arith.constant 0 : i32
          scf.yield %scan3A_242 : i32
        }
        %scan3A_115 = arith.constant 48 : i32
        %scan3A_116 = arith.constant 0 : i32
        scf.yield %scan3A_116 : i32
      }
      %scan3A_106 = arith.constant 64 : i32
    } else {
    }
    %add3A_85 = arith.constant 192 : i32
    %add3A_86 = arith.addi %mul3A_2, %add3A_85 : i32
    "tpu.region"() ({
      %run_scoped3A = tpu.sem_alloc : memref<!tpu.dma_semaphore, #tpu.memory_space<semaphore_mem>>
      %dma_start3A_87 = arith.constant 0 : i32
      %dma_start3A_88 = tpu.memref_slice %arg6[%add3A_86, %dma_start3A_87] : memref<8192x768xf32, #tpu.memory_space<hbm>> -> memref<64x768xf32, #tpu.memory_space<hbm>>
      %dma_start3A_89 = arith.constant 0 : i32
      %dma_start3A_90 = tpu.memref_slice %arg6[%add3A_86, %dma_start3A_89] : memref<8192x768xf32, #tpu.memory_space<hbm>> -> memref<64x768xf32, #tpu.memory_space<hbm>>
      tpu.enqueue_dma source(%arg9 : memref<64x768xf32, #tpu.memory_space<vmem>>) target(%dma_start3A_90 : memref<64x768xf32, #tpu.memory_space<hbm>>) target_semaphore(%run_scoped3A : memref<!tpu.dma_semaphore, #tpu.memory_space<semaphore_mem>>)
      %dma_wait3A_91 = arith.constant 0 : i32
      %dma_wait3A_92 = tpu.memref_slice %arg6[%add3A_86, %dma_wait3A_91] : memref<8192x768xf32, #tpu.memory_space<hbm>> -> memref<64x768xf32, #tpu.memory_space<hbm>>
      %dma_wait3A_93 = arith.constant 0 : i32
      %dma_wait3A_94 = tpu.memref_slice %arg6[%add3A_86, %dma_wait3A_93] : memref<8192x768xf32, #tpu.memory_space<hbm>> -> memref<64x768xf32, #tpu.memory_space<hbm>>
      tpu.wait_dma2 semaphore(%run_scoped3A : memref<!tpu.dma_semaphore, #tpu.memory_space<semaphore_mem>>) src(%arg9 : memref<64x768xf32, #tpu.memory_space<vmem>>) dst(%dma_wait3A_94 : memref<64x768xf32, #tpu.memory_space<hbm>>)
      tpu.yield
    }) : () -> ()
    return
  }
}

</mosaic_0001>

<sc_bundles>
// kernel: _run.3.cloned.1.call-start
scs
__scs_entry_jumppad:
0x0: {  	(pc) =	sbr.rel $0x88, $3  }
0x1: {  	(tag) =	ssettag $0x0;
	lr =	simm.s32 $0x1  }
0x2: {  	[smem:$0x3F9D] =	sst lr;
	_ =	strace $0xD0000000  }
0x3: {  	_ = 	snop  }
0x4: {  	_ = 	snop  }
0x5: {  	_ = 	snop  }
0x6: {  	_ = 	snop  }
0x7: {  	_ = 	snop  }
__scs_overlays_trampoline_lowered:
0x8: {  	[smem:$0x3FAC] =	sst s0  }
0x9: {  	[smem:$0x3FAD] =	sst s1  }
0xa: {  	[smem:$0x3FAE] =	sst s2  }
0xb: {  	[smem:$0x3FAF] =	sst s3  }
0xc: {  	[smem:$0x3FB0] =	sst s4  }
0xd: {  	[smem:$0x3FB1] =	sst s5  }
0xe: {  	[smem:$0x3FB2] =	sst s6  }
0xf: {  	[smem:$0x3FB3] =	sst s7  }
0x10: {  	[smem:$0x3FB4] =	sst s8  }
0x11: {  	[smem:$0x3FB5] =	sst s9;
	s0 =	simm.s32 @!p0 $0x0  }
0x12: {  	s1 =	sld [smem:$0x3F9B];
	s0 =	simm.s32 @p0 $0x1  }
0x13: {  	[smem:$0x3FB6] =	sst s0;
	s0 =	simm.s32 @!p1 $0x0  }
0x14: {  	s2 =	sld [smem:$0x3F9A];
	s0 =	simm.s32 @p1 $0x1  }
0x15: {  	[smem:$0x3FB7] =	sst s0;
	s0 =	simm.s32 @!p2 $0x0  }
0x16: {  	s3 =	sld [smem:$0x3FDB];
	s0 =	simm.s32 @p2 $0x1  }
0x17: {  	s4 =	simm.s32 $0x1BF5;
	[smem:$0x3FB9] =	sst s0  }
0x18: {  	s0 =	sld [smem:$0x3F9C];
	_ =	swait.ge [sflag:s4], $0x0  }
0x19: {  	s7 =	sld [smem:$0x3F9D]  }
0x1a: {  	s8 =	sadd.s32 $0xFFFFE003, lr  }
0x1b: {  	s9 =	sadd.s32 $0xFFFFFEF7, lr;
	s5 =	simm.s32 $0xFFFFFFFF;
	p2 =	slt.u32 s8, $0xFFFFF086  }
0x1c: {  	p1 =	slt.u32 s9, $0xF7A;
	s5 =	simm.s32 @!p2 $0x0  }
0x1d: {  	s5 =	simm.s32 @p1 $0x1;
	p0 =	seq.s32 s7, s2  }
0x1e: {  	s7 =	smul.u32 @!p0 $0xF7A, s2;
	p2 =	seq.s32 @!p0 s5, $0x0  }
0x1f: {  	s9 =	smul.u32 $0xF7A, s1;
	s8 =	simm.s32 @!p0 $0x1BF5;
	p2 =	por !p2, p0  }
0x20: {  	[sflag:s8] =	ssyncset.s32 @!p0 $0xFFFFF086;
	s6 =	sadd.s32 @!p0 s3, s7;
	s7 =	simm.s32 @!p0 $0x108  }
0x21: {  	s3 =	sadd.s32 s3, s9;
	s6 =	sadd.s32 @!p0 $0x88, s6;
	s7 =	simm.s32 @p2 $0x1082  }
0x22: {  	[simem:s7], [sflag:s8] =	dma.local @!p0 [hbm:s6], $0xF7A  }
0x23: {  	s9 =	sor.u32 $0xD0000000, s2;
	s6 =	simm.s32 $0x108;
	_ =	swait.ge @!p0 [sflag:s8], $0x0  }
0x24: {  	s3 =	sadd.s32 $0x88, s3;
	s6 =	simm.s32 @!p1 $0x1082;
	[sflag:s4] =	ssyncset.s32 $0xFFFFF086  }
0x25: {  	[simem:s6], [sflag:s4] =	dma.local [hbm:s3], $0xF7A  }
0x26: {  	[smem:$0x3F9D] =	sst s1;
	(tag) =	ssettag s2;
	_ =	strace s9  }
0x27: {  	s1 =	sld [smem:$0x3FAD]  }
0x28: {  	s2 =	sld [smem:$0x3FAE]  }
0x29: {  	s4 =	sld [smem:$0x3FB0]  }
0x2a: {  	p0 =	seq.s32 s5, $0x0;
	s5 =	sld [smem:$0x3FB1]  }
0x2b: {  	s6 =	sld [smem:$0x3FB2]  }
0x2c: {  	s7 =	sld [smem:$0x3FB3]  }
0x2d: {  	s3 =	simm.s32 $0x108;
	s8 =	sld [smem:$0x3FB4]  }
0x2e: {  	s3 =	simm.s32 @!p0 $0x1082;
	s9 =	sld [smem:$0x3FB5]  }
0x2f: {  	lr =	sadd.s32 s0, s3;
	s0 =	sld [smem:$0x3FAC]  }
0x30: {  	s3 =	sld [smem:$0x3FAF]  }
0x31: {  	[smem:$0x3FB8] =	sst s10  }
0x32: {  	s10 =	sld [smem:$0x3FB6];
	_ =	sdelay $0x3  }
0x33: {  	p0 =	seq.s32 s10, $0x1;
	s10 =	sld [smem:$0x3FB8];
	_ =	sdelay $0x3  }
0x34: {  	[smem:$0x3FB8] =	sst s10  }
0x35: {  	s10 =	sld [smem:$0x3FB7];
	_ =	sdelay $0x3  }
0x36: {  	p1 =	seq.s32 s10, $0x1;
	s10 =	sld [smem:$0x3FB8];
	_ =	sdelay $0x3  }
0x37: {  	[smem:$0x3FB8] =	sst s10  }
0x38: {  	s10 =	sld [smem:$0x3FB9]  }
0x39: {  	_ = 	snop;
	(pc) =	sbr.ind lr, $3  }
0x3a: {  	_ = 	snop  }
0x3b: {  	_ = 	snop  }
0x3c: {  	p2 =	seq.s32 s10, $0x1;
	s10 =	sld [smem:$0x3FB8]  }
0x3d: {  	_ =	shalt  }
0x3e: {  	_ =	shalt  }
0x3f: {  	_ =	shalt  }
0x40: {  	_ =	shalt  }
0x41: {  	_ =	shalt  }
0x42: {  	_ =	shalt  }
0x43: {  	_ =	shalt  }
0x44: {  	_ =	shalt  }
0x45: {  	_ =	shalt  }
0x46: {  	_ =	shalt  }
0x47: {  	_ =	shalt  }
0x48: {  	_ =	shalt  }
0x49: {  	_ =	shalt  }
0x4a: {  	_ =	shalt  }
0x4b: {  	_ =	shalt  }
0x4c: {  	_ =	shalt  }
0x4d: {  	_ =	shalt  }
0x4e: {  	_ =	shalt  }
0x4f: {  	_ =	shalt  }
0x50: {  	_ =	shalt  }
0x51: {  	_ =	shalt  }
0x52: {  	_ =	shalt  }
0x53: {  	_ =	shalt  }
0x54: {  	_ =	shalt  }
0x55: {  	_ =	shalt  }
0x56: {  	_ =	shalt  }
0x57: {  	_ =	shalt  }
0x58: {  	_ =	shalt  }
0x59: {  	_ =	shalt  }
0x5a: {  	_ =	shalt  }
0x5b: {  	_ =	shalt  }
0x5c: {  	_ =	shalt  }
0x5d: {  	_ =	shalt  }
0x5e: {  	_ =	shalt  }
0x5f: {  	_ =	shalt  }
0x60: {  	_ =	shalt  }
0x61: {  	_ =	shalt  }
0x62: {  	_ =	shalt  }
0x63: {  	_ =	shalt  }
0x64: {  	_ =	shalt  }
0x65: {  	_ =	shalt  }
0x66: {  	_ =	shalt  }
0x67: {  	_ =	shalt  }
0x68: {  	_ =	shalt  }
0x69: {  	_ =	shalt  }
0x6a: {  	_ =	shalt  }
0x6b: {  	_ =	shalt  }
0x6c: {  	_ =	shalt  }
0x6d: {  	_ =	shalt  }
0x6e: {  	_ =	shalt  }
0x6f: {  	_ =	shalt  }
0x70: {  	_ =	shalt  }
0x71: {  	_ =	shalt  }
0x72: {  	_ =	shalt  }
0x73: {  	_ =	shalt  }
0x74: {  	_ =	shalt  }
0x75: {  	_ =	shalt  }
0x76: {  	_ =	shalt  }
0x77: {  	_ =	shalt  }
0x78: {  	_ =	shalt  }
0x79: {  	_ =	shalt  }
0x7a: {  	_ =	shalt  }
0x7b: {  	_ =	shalt  }
0x7c: {  	_ =	shalt  }
0x7d: {  	_ =	shalt  }
0x7e: {  	_ =	shalt  }
0x7f: {  	_ =	shalt  }
0x80: {  	_ =	shalt  }
0x81: {  	_ =	shalt  }
0x82: {  	_ =	shalt  }
0x83: {  	_ =	shalt  }
0x84: {  	_ =	shalt  }
0x85: {  	_ =	shalt  }
0x86: {  	_ =	shalt  }
0x87: {  	_ =	shalt  }
.Lfunc_end0:
.L_simem_size_0:
called_computation_lowered:
.L_overlay_start_0:
0x88: {  	s2 =	sld [smem:$0x3FD9]  }
0x89: {  	s3 =	sld [smem:$0x3FFE];
	_ =	sdelay $0x1  }
0x8a: {  	s1 =	srdreg.scid  }
0x8b: {  	s0 =	sand.u32 $0x1, s1  }
0x8c: {  	s18 =	sshll.u32 s0, $0xA;
	s2 =	sadd.s32 s3, s2  }
0x8d: {  	s2 =	sadd.s32 s2, s18  }
0x8e: {  	[smem:$0x3FC4] =	sst s2  }
0x8f: {  	_ = 	snop  }
0x90: {  	s2 =	sld [smem:$0x3FC9]  }
0x91: {  	s19 =	sld [smem:$0x3FC8]  }
0x92: {  	s4 =	sld [smem:$0x3FC7]  }
0x93: {  	s5 =	sld [smem:$0x3FC6]  }
0x94: {  	s6 =	sld [smem:$0x3FD0];
	(tm) =	ssettm $0x1  }
0x95: {  	s7 =	sld [smem:$0x3FFB];
	_ =	sdelay $0x3  }
0x96: {  	_ =	strace s7  }
0x97: {  	s7 =	sld [smem:$0x3FFC];
	_ =	sdelay $0x3  }
0x98: {  	_ =	strace s7  }
0x99: {  	s7 =	sld [smem:$0x3FFD];
	_ =	sdelay $0x3  }
0x9a: {  	_ =	strace s7  }
0x9b: {  	_ =	strace $0x8FFFFFFF  }
0x9c: {  	s20 =	sld [smem:$0x3FDB];
	_ =	sdelay $0x1  }
0x9d: {  	s8 =	simm.s32 $_scs_section_size  }
0x9e: {  	s9 =	simm.s32 $_size__tile_overlayer_lowered;
	s10 =	simm.s32 $_tile_overlayer_lowered  }
0x9f: {  	s23 =	simm.s32 $0x1BFF;
	s22 =	sshll.u32 s10, $0x1;
	s7 =	sadd.s32 s8, s20  }
0xa0: {  	s11 =	simm.s32 $0x0;
	s21 =	sshll.u32 s9, $0x1;
	s9 =	sadd.s32 s22, s7  }
0xa1: {  	[timem:s11], [sflag:s23] =	dma.local [hbm:s9], s21  }
0xa2: {  	_ =	swait.ge [sflag:s23], s21  }
0xa3: {  	s8 =	ssub.s32 $0x0, s21;
	[sflag:s23] =	ssyncset.done $0x0  }
0xa4: {  	[sflag:s23] =	ssyncadd.s32 s8;
	_ =	sdelay $0x1  }
0xa5: {  	s24 =	simm.s32 $0x1B8B  }
0xa6: {  	_ =	swait.ge [sflag:s24], $0x1  }
0xa7: {  	[sflag:s24] =	ssyncset.done $0x0  }
0xa8: {  	s25 =	simm.s32 $0x1B8E;
	[sflag:s24] =	ssyncadd.s32 $0xFFFFFFFF  }
0xa9: {  	s26 =	simm.s32 $execute0_lowered;
	[smem:$0x3FD2] =	sst s25  }
0xaa: {  	s8 =	sshll.u32 s26, $0x1;
	_ =	strace $0x80000046;
	[dreg:$0x1] =	wrdreg $0xFFFFFFFF  }
0xab: {  	s28 =	simm.s32 $_size_execute0_lowered;
	s7 =	sadd.s32 s7, s8;
	[dreg:$0x0] =	wrdreg $0x0  }
0xac: {  	s8 =	sshll.u32 s28, $0x1;
	[dreg:$0x2] =	wrdreg s7  }
0xad: {  	[dreg:$0x3] =	wrdreg s8  }
0xae: {  	[dreg:$0x4] =	wrdreg $0xC0  }
0xaf: {  	_ =	task [dreg:s11], $0x5FFFF  }
0xb0: {  	[dreg:$0x1] =	wrdreg $0xFFFFFFFF  }
0xb1: {  	[dreg:$0x0] =	wrdreg $0x60  }
0xb2: {  	[dreg:$0x2] =	wrdreg s2  }
0xb3: {  	[dreg:$0x3] =	wrdreg s19  }
0xb4: {  	[dreg:$0x4] =	wrdreg s4  }
0xb5: {  	[dreg:$0x5] =	wrdreg s5  }
0xb6: {  	[dreg:$0x6] =	wrdreg s6  }
0xb7: {  	[dreg:$0x7] =	wrdreg $0x9  }
0xb8: {  	_ =	task.clear_ibuf [dreg:s11], $0x8FFFF;
	_ =	strace $0x90000046  }
0xb9: {  	s29 =	simm.s32 $0x9;
	_ =	strace $0x80000048  }
0xba: {  	_ =	swait.ge [sflag:s29], $0x1  }
0xbb: {  	[sflag:s29] =	ssyncadd.s32 $0xFFFFFFFF  }
0xbc: {  	_ =	strace $0x90000048  }
0xbd: {  	_ =	sfence  }
0xbe: {  	s30 =	sld [smem:$0x0];
	_ =	sdelay $0x2  }
0xbf: {  	s31 =	sshll.u32 s1, $0xD;
	s1 =	sshrl.u32 s1, $0x2  }
0xc0: {  	s3 =	sand.u32 $0x4000, s31;
	s1 =	sadd.s32 s1, s30  }
0xc1: {  	s0 =	sor.u32 s3, s0;
	s1 =	sshll.u32 s1, $0x11  }
0xc2: {  	s0 =	sor.u32 s1, s0  }
0xc3: {  	s0 =	sadd.s32 $0x8F2B, s0  }
0xc4: {  	[sflag:s0] =	ssyncadd.remote.s32 $0x1  }
0xc5: {  	_ =	sfence.sel $0xFFFF  }
0xc6: {  	[dreg:$0x0] =	wrdreg $0xFFFFFFFF;
	(pc) =	sbr.abs _section_cstart, $3  }
0xc7: {  	[dreg:$0x1] =	wrdreg $0xFFFFFFFF  }
0xc8: {  	_ =	task.clear_ibuf [dreg:s11], $0x2FFFF;
	_ =	strace $0x9FFFFFFF  }
0xc9: {  	(tm) =	ssettm $0x7FFFFFFF  }
tec
execute0_lowered:
.L_overlay_start_1:
0x0: {  	(tag) =	ssettag $0x1  }
0x1: {  	s0 =	rddreg [dreg:$0x0]  }
0x2: {  	s2 =	rddreg [dreg:$0x1]  }
0x3: {  	s1 =	rddreg [dreg:$0x2]  }
0x4: {  	s3 =	rddreg [dreg:$0x3]  }
0x5: {  	s5 =	rddreg [dreg:$0x4]  }
0x6: {  	s6 =	srdreg.scid;
	s12 =	stileid.u32  }
0x7: {  	s4 =	simm.s32 $0x0;
	s16 =	simm.s32 $0x3;
	s17 =	simm.s32 $0x400  }
0x8: {  	s30 =	simm.s32 $0x6400;
	s31 =	simm.s32 $0x6C00;
	s13 =	simm.s32 $0x9C00  }
0x9: {  	s14 =	simm.s32 $0xA400;
	s15 =	simm.s32 $0xAC00;
	s18 =	simm.s32 $0xBC00  }
0xa: {  	s19 =	simm.s32 $0x1;
	s20 =	simm.s32 $0x2;
	s21 =	simm.s32 $0x0  }
0xb: {  	s6 =	sand.u32 $0x1, s6;
	s7 =	sshll.u32 s12, $0x1;
	[smem:$0x7FF] =	sst s4  }
0xc: {  	s10 =	sadd.s32 $0x200, s3;
	p0 =	sgt.u32 s12, $0x3;
	s12 =	simm.s32 $0x9400  }
0xd: {  	s8 =	ssub.s32 $0x2, s6;
	s6 =	sor.u32 s6, s7;
	_ =	strace $0x80000047  }
0xe: {  	s7 =	sadd.s32 $0x100, s1;
	s24 =	sshrl.u32 s8, $0x1;
	s25 =	smul.u32 $0x30000, s6  }
0xf: {  	s9 =	sshll.u32 s6, $0x6;
	s26 =	smul.u32 $0x6000, s6;
	s6 =	simm.s32 $0x8C00  }
0x10: {  	s11 =	ssub.s32 s8, s24;
	s0 =	sadd.s32 s0, s9;
	s2 =	sadd.s32 s2, s9  }
0x11: {  	s8 =	sadd.s32 $0x200, s1;
	s9 =	sadd.s32 $0x100, s3;
	[dreg:$0x6] =	wrdreg s0  }
0x12: {  	[dreg:$0x7] =	wrdreg s2;
	s0 =	sshrl.u32 s25, $0x3;
	s2 =	sadd.s32 s5, s26  }
.Ltmp0:
0x13: {  	s29 =	smax.u32 s11, $0x1;
	[dreg:$0x8] =	wrdreg s2;
	(pc) =	sbr.rel .LBB2_1-.Ltmp0, $4  }
0x14: {  	s0 =	sadd.s32 s5, s0;
	s2 =	sadd.s32 $0x1800, s2;
	[dreg:$0xc] =	wrdreg s29  }
0x15: {  	v2 =	vlaneseq.u32;
	s11 =	simm.s32 $0xB400;
	[dreg:$0x9] =	wrdreg s2;
	s28 =	sadd.s32 $0x3000, s0  }
0x16: {  	vm0 =	vmmov $0xffff;
	v1 =	vshrl.u32 v2, $0x3;
	s5 =	simm.s32 $0x8400;
	s0 =	sadd.s32 $0x4800, s0;
	[dreg:$0xa] =	wrdreg s28  }
0x17: {  	v0 =	vand.u32 $0x7, v2;
	v2 =	vor.u32 $0x8, v2;
	v1 =	vmul.u32 $0x8, v1;
	s2 =	simm.s32 $0x7C00;
	[dreg:$0xb] =	wrdreg s0;
	s0 =	simm.s32 $0x7400  }
.LBB2_21:
0x18: {  	s22 =	rddreg [dreg:$0xb]  }
0x19: {  	[hbm4b:s22+s4] =	stream.linear.scatter [tilespmem:s17], [sflag:$0x3], $0xC000, $0x38;
	[tilespmem:$0x18400] =	vst v63  }
0x1a: {  	_ =	swait.ge [sflag:s16], $0xC000  }
0x1b: {  	s21 =	sadd.s32 $0x1, s21;
	s29 =	rddreg [dreg:$0xc]  }
0x1c: {  	p1 =	sne.s32 s21, s29  }
.Ltmp1:
0x1d: {  	_ = 	snop;
	(pc) =	sbr.rel @!p1 .LBB2_22-.Ltmp1, $3  }
0x1e: {  	_ =	sdelay $0x1  }
0x1f: {  	[sflag:s16] =	ssyncset.done $0x0  }
0x20: {  	[sflag:s16] =	ssyncadd.s32 $0xFFFF4000  }
.LBB2_1:
0x21: {  	s22 =	rddreg [dreg:$0x6]  }
0x22: {  	[tilespmem:s4], [sflag:$0x3] =	stream.linear.gather [hbm4b:s22+s4], $0x200, $0x38;
	[tilespmem:$0x18400] =	vst v63  }
0x23: {  	_ =	swait.ge [sflag:s16], $0x200  }
0x24: {  	s23 =	simm.s32 @!p0 $0x200;
	[sflag:s16] =	ssyncset.done $0x0  }
0x25: {  	s22 =	simm.s32 @!p0 $0x0;
	s24 =	rddreg [dreg:$0x7];
	[sflag:s16] =	ssyncadd.s32 $0xFFFFFE00  }
0x26: {  	[tilespmem:s23], [sflag:$0x3] =	stream.linear.gather @!p0 [hbm4b:s24+s22], $0x200, $0x38;
	[tilespmem:$0x18400] =	vst v63  }
0x27: {  	s22 =	simm.s32 @!p0 $0x3  }
0x28: {  	_ =	swait.ge @!p0 [sflag:s22], $0x200  }
0x29: {  	[sflag:s22] =	ssyncset.done @!p0 $0x0  }
0x2a: {  	[sflag:s22] =	ssyncadd.s32 @!p0 $0xFFFFFE00  }
0x2b: {  	v3 =	vld [tilespmem:$0x0];
	_ =	sdelay $0x4  }
0x2c: {  	v4 =	vshrl.u32 v3, $0x3  }
0x2d: {  	v4 =	vmul.u32 $0x30, v4  }
0x2e: {  	v3 =	vand.u32 $0x7, v3  }
0x2f: {  	v3 =	vor.u32 v3, v4  }
0x30: {  	v4 =	vperm.xlane v3, v0;
	_ =	sdelay $0x1  }
0x31: {  	v4 =	vadd.s32 v1, v4;
	_ =	sdelay $0x3  }
0x32: {  	v3 =	vperm.xlane v3, v2  }
0x33: {  	[tilespmem:s17], [sflag:$0x1] =	stream.indirect_vreg.gather [hbm4b:s1+s4], $0x80, v4, vm0, $0xb8;
	[tilespmem:$0x18400] =	vst v63  }
0x34: {  	s24 =	simm.s32 $0xC00;
	v3 =	vadd.s32 v1, v3  }
0x35: {  	[tilespmem:s24], [sflag:$0x1] =	stream.indirect_vreg.gather [hbm4b:s7+s4], $0x80, v4, vm0, $0xb8;
	[tilespmem:$0x18400] =	vst v63  }
0x36: {  	s25 =	simm.s32 $0x1400  }
0x37: {  	[tilespmem:s25], [sflag:$0x1] =	stream.indirect_vreg.gather [hbm4b:s8+s4], $0x80, v4, vm0, $0xb8;
	[tilespmem:$0x18400] =	vst v63  }
0x38: {  	s26 =	simm.s32 $0x1C00  }
0x39: {  	[tilespmem:s26], [sflag:$0x1] =	stream.indirect_vreg.gather [hbm4b:s1+s4], $0x80, v3, vm0, $0xb8;
	[tilespmem:$0x18400] =	vst v63  }
0x3a: {  	s28 =	simm.s32 $0x2400  }
0x3b: {  	[tilespmem:s28], [sflag:$0x1] =	stream.indirect_vreg.gather [hbm4b:s7+s4], $0x80, v3, vm0, $0xb8;
	[tilespmem:$0x18400] =	vst v63  }
0x3c: {  	s29 =	simm.s32 $0x2C00  }
0x3d: {  	[tilespmem:s29], [sflag:$0x1] =	stream.indirect_vreg.gather [hbm4b:s8+s4], $0x80, v3, vm0, $0xb8;
	[tilespmem:$0x18400] =	vst v63  }
0x3e: {  	v3 =	vld [tilespmem:$0x10];
	_ =	sdelay $0x4  }
0x3f: {  	v61 =	vshrl.u32 v3, $0x3  }
0x40: {  	v4 =	vmul.u32 $0x30, v61  }
0x41: {  	v3 =	vand.u32 $0x7, v3  }
0x42: {  	v3 =	vor.u32 v3, v4  }
0x43: {  	v4 =	vperm.xlane v3, v0;
	_ =	sdelay $0x1  }
0x44: {  	v4 =	vadd.s32 v1, v4;
	_ =	sdelay $0x3  }
0x45: {  	s23 =	simm.s32 $0x3400;
	v3 =	vperm.xlane v3, v2  }
0x46: {  	[tilespmem:s23], [sflag:$0x1] =	stream.indirect_vreg.gather [hbm4b:s1+s4], $0x80, v4, vm0, $0xb8;
	[tilespmem:$0x18400] =	vst v63  }
0x47: {  	s24 =	simm.s32 $0x3C00;
	v3 =	vadd.s32 v1, v3  }
0x48: {  	[tilespmem:s24], [sflag:$0x1] =	stream.indirect_vreg.gather [hbm4b:s7+s4], $0x80, v4, vm0, $0xb8;
	[tilespmem:$0x18400] =	vst v63  }
0x49: {  	s25 =	simm.s32 $0x4400  }
0x4a: {  	[tilespmem:s25], [sflag:$0x1] =	stream.indirect_vreg.gather [hbm4b:s8+s4], $0x80, v4, vm0, $0xb8;
	[tilespmem:$0x18400] =	vst v63  }
0x4b: {  	s26 =	simm.s32 $0x4C00  }
0x4c: {  	[tilespmem:s26], [sflag:$0x1] =	stream.indirect_vreg.gather [hbm4b:s1+s4], $0x80, v3, vm0, $0xb8;
	[tilespmem:$0x18400] =	vst v63  }
0x4d: {  	s28 =	simm.s32 $0x5400  }
0x4e: {  	[tilespmem:s28], [sflag:$0x1] =	stream.indirect_vreg.gather [hbm4b:s7+s4], $0x80, v3, vm0, $0xb8;
	[tilespmem:$0x18400] =	vst v63  }
0x4f: {  	s29 =	simm.s32 $0x5C00  }
0x50: {  	[tilespmem:s29], [sflag:$0x1] =	stream.indirect_vreg.gather [hbm4b:s8+s4], $0x80, v3, vm0, $0xb8;
	[tilespmem:$0x18400] =	vst v63  }
0x51: {  	v3 =	vld [tilespmem:$0x20];
	_ =	sdelay $0x4  }
0x52: {  	v62 =	vshrl.u32 v3, $0x3  }
0x53: {  	v4 =	vmul.u32 $0x30, v62  }
0x54: {  	v3 =	vand.u32 $0x7, v3  }
0x55: {  	v3 =	vor.u32 v3, v4  }
0x56: {  	v4 =	vperm.xlane v3, v0;
	_ =	sdelay $0x1  }
0x57: {  	v4 =	vadd.s32 v1, v4;
	_ =	sdelay $0x3  }
0x58: {  	v3 =	vperm.xlane v3, v2  }
0x59: {  	[tilespmem:s30], [sflag:$0x1] =	stream.indirect_vreg.gather [hbm4b:s1+s4], $0x80, v4, vm0, $0xb8;
	[tilespmem:$0x18400] =	vst v63  }
0x5a: {  	v3 =	vadd.s32 v1, v3  }
0x5b: {  	[tilespmem:s31], [sflag:$0x1] =	stream.indirect_vreg.gather [hbm4b:s7+s4], $0x80, v4, vm0, $0xb8;
	[tilespmem:$0x18400] =	vst v63  }
0x5c: {  	_ = 	snop  }
0x5d: {  	[tilespmem:s0], [sflag:$0x1] =	stream.indirect_vreg.gather [hbm4b:s8+s4], $0x80, v4, vm0, $0xb8;
	[tilespmem:$0x18400] =	vst v63  }
0x5e: {  	_ = 	snop  }
0x5f: {  	[tilespmem:s2], [sflag:$0x1] =	stream.indirect_vreg.gather [hbm4b:s1+s4], $0x80, v3, vm0, $0xb8;
	[tilespmem:$0x18400] =	vst v63  }
0x60: {  	_ = 	snop  }
0x61: {  	[tilespmem:s5], [sflag:$0x1] =	stream.indirect_vreg.gather [hbm4b:s7+s4], $0x80, v3, vm0, $0xb8;
	[tilespmem:$0x18400] =	vst v63  }
0x62: {  	_ = 	snop  }
0x63: {  	[tilespmem:s6], [sflag:$0x1] =	stream.indirect_vreg.gather [hbm4b:s8+s4], $0x80, v3, vm0, $0xb8;
	[tilespmem:$0x18400] =	vst v63  }
0x64: {  	v3 =	vld [tilespmem:$0x30];
	_ =	sdelay $0x4  }
0x65: {  	v63 =	vshrl.u32 v3, $0x3  }
0x66: {  	v4 =	vmul.u32 $0x30, v63  }
0x67: {  	v3 =	vand.u32 $0x7, v3  }
0x68: {  	v3 =	vor.u32 v3, v4  }
0x69: {  	v4 =	vperm.xlane v3, v0;
	_ =	sdelay $0x1  }
0x6a: {  	v4 =	vadd.s32 v1, v4;
	_ =	sdelay $0x3  }
0x6b: {  	v3 =	vperm.xlane v3, v2  }
0x6c: {  	[tilespmem:s12], [sflag:$0x1] =	stream.indirect_vreg.gather [hbm4b:s1+s4], $0x80, v4, vm0, $0xb8;
	[tilespmem:$0x18400] =	vst v63  }
0x6d: {  	v3 =	vadd.s32 v1, v3  }
0x6e: {  	[tilespmem:s13], [sflag:$0x1] =	stream.indirect_vreg.gather [hbm4b:s7+s4], $0x80, v4, vm0, $0xb8;
	[tilespmem:$0x18400] =	vst v63  }
0x6f: {  	_ = 	snop  }
0x70: {  	[tilespmem:s14], [sflag:$0x1] =	stream.indirect_vreg.gather [hbm4b:s8+s4], $0x80, v4, vm0, $0xb8;
	[tilespmem:$0x18400] =	vst v63  }
0x71: {  	_ = 	snop  }
0x72: {  	[tilespmem:s15], [sflag:$0x1] =	stream.indirect_vreg.gather [hbm4b:s1+s4], $0x80, v3, vm0, $0xb8;
	[tilespmem:$0x18400] =	vst v63  }
0x73: {  	_ = 	snop  }
0x74: {  	[tilespmem:s11], [sflag:$0x1] =	stream.indirect_vreg.gather [hbm4b:s7+s4], $0x80, v3, vm0, $0xb8;
	[tilespmem:$0x18400] =	vst v63  }
.Ltmp2:
0x75: {  	_ = 	snop;
	(pc) =	sbr.rel @p0 .LBB2_6-.Ltmp2, $4  }
0x76: {  	[tilespmem:s18], [sflag:$0x1] =	stream.indirect_vreg.gather [hbm4b:s8+s4], $0x80, v3, vm0, $0xb8;
	[tilespmem:$0x18400] =	vst v63  }
0x77: {  	_ =	swait.ge [sflag:s19], $0xC000  }
0x78: {  	[sflag:s19] =	ssyncset.done $0x0  }
0x79: {  	[sflag:s19] =	ssyncadd.s32 $0xFFFF4000  }
0x7a: {  	v3 =	vld [tilespmem:$0x200];
	_ =	sdelay $0x4  }
0x7b: {  	v4 =	vshrl.u32 v3, $0x3  }
0x7c: {  	v4 =	vmul.u32 $0x30, v4  }
0x7d: {  	v3 =	vand.u32 $0x7, v3  }
0x7e: {  	v3 =	vor.u32 v3, v4  }
0x7f: {  	v4 =	vperm.xlane v3, v0;
	_ =	sdelay $0x1  }
0x80: {  	v4 =	vadd.s32 v1, v4;
	_ =	sdelay $0x3  }
0x81: {  	s22 =	simm.s32 $0x0;
	s23 =	simm.s32 $0xC400;
	v3 =	vperm.xlane v3, v2  }
0x82: {  	[tilespmem:s23], [sflag:$0x2] =	stream.indirect_vreg.gather [hbm4b:s3+s22], $0x80, v4, vm0, $0xb8;
	[tilespmem:$0x18400] =	vst v63  }
0x83: {  	s26 =	simm.s32 $0xCC00;
	v3 =	vadd.s32 v1, v3  }
0x84: {  	[tilespmem:s26], [sflag:$0x2] =	stream.indirect_vreg.gather [hbm4b:s9+s22], $0x80, v4, vm0, $0xb8;
	[tilespmem:$0x18400] =	vst v63  }
0x85: {  	s28 =	simm.s32 $0xD400  }
0x86: {  	[tilespmem:s28], [sflag:$0x2] =	stream.indirect_vreg.gather [hbm4b:s10+s22], $0x80, v4, vm0, $0xb8;
	[tilespmem:$0x18400] =	vst v63  }
0x87: {  	s29 =	simm.s32 $0xDC00  }
0x88: {  	[tilespmem:s29], [sflag:$0x2] =	stream.indirect_vreg.gather [hbm4b:s3+s22], $0x80, v3, vm0, $0xb8;
	[tilespmem:$0x18400] =	vst v63  }
0x89: {  	s24 =	simm.s32 $0xE400  }
0x8a: {  	[tilespmem:s24], [sflag:$0x2] =	stream.indirect_vreg.gather [hbm4b:s9+s22], $0x80, v3, vm0, $0xb8;
	[tilespmem:$0x18400] =	vst v63  }
0x8b: {  	s25 =	simm.s32 $0xEC00  }
0x8c: {  	[tilespmem:s25], [sflag:$0x2] =	stream.indirect_vreg.gather [hbm4b:s10+s22], $0x80, v3, vm0, $0xb8;
	[tilespmem:$0x18400] =	vst v63  }
0x8d: {  	v3 =	vld [tilespmem:$0x210];
	_ =	sdelay $0x4  }
0x8e: {  	v61 =	vshrl.u32 v3, $0x3  }
0x8f: {  	v4 =	vmul.u32 $0x30, v61  }
0x90: {  	v3 =	vand.u32 $0x7, v3  }
0x91: {  	v3 =	vor.u32 v3, v4  }
0x92: {  	v4 =	vperm.xlane v3, v0;
	_ =	sdelay $0x1  }
0x93: {  	v4 =	vadd.s32 v1, v4;
	_ =	sdelay $0x3  }
0x94: {  	s26 =	simm.s32 $0xF400;
	v3 =	vperm.xlane v3, v2  }
0x95: {  	[tilespmem:s26], [sflag:$0x2] =	stream.indirect_vreg.gather [hbm4b:s3+s22], $0x80, v4, vm0, $0xb8;
	[tilespmem:$0x18400] =	vst v63  }
0x96: {  	s28 =	simm.s32 $0xFC00;
	v3 =	vadd.s32 v1, v3  }
0x97: {  	[tilespmem:s28], [sflag:$0x2] =	stream.indirect_vreg.gather [hbm4b:s9+s22], $0x80, v4, vm0, $0xb8;
	[tilespmem:$0x18400] =	vst v63  }
0x98: {  	s29 =	simm.s32 $0x10400  }
0x99: {  	[tilespmem:s29], [sflag:$0x2] =	stream.indirect_vreg.gather [hbm4b:s10+s22], $0x80, v4, vm0, $0xb8;
	[tilespmem:$0x18400] =	vst v63  }
0x9a: {  	s24 =	simm.s32 $0x10C00  }
0x9b: {  	[tilespmem:s24], [sflag:$0x2] =	stream.indirect_vreg.gather [hbm4b:s3+s22], $0x80, v3, vm0, $0xb8;
	[tilespmem:$0x18400] =	vst v63  }
0x9c: {  	s25 =	simm.s32 $0x11400  }
0x9d: {  	[tilespmem:s25], [sflag:$0x2] =	stream.indirect_vreg.gather [hbm4b:s9+s22], $0x80, v3, vm0, $0xb8;
	[tilespmem:$0x18400] =	vst v63  }
0x9e: {  	s26 =	simm.s32 $0x11C00  }
0x9f: {  	[tilespmem:s26], [sflag:$0x2] =	stream.indirect_vreg.gather [hbm4b:s10+s22], $0x80, v3, vm0, $0xb8;
	[tilespmem:$0x18400] =	vst v63  }
0xa0: {  	v3 =	vld [tilespmem:$0x220];
	_ =	sdelay $0x4  }
0xa1: {  	v62 =	vshrl.u32 v3, $0x3  }
0xa2: {  	v4 =	vmul.u32 $0x30, v62  }
0xa3: {  	v3 =	vand.u32 $0x7, v3  }
0xa4: {  	v3 =	vor.u32 v3, v4  }
0xa5: {  	v4 =	vperm.xlane v3, v0;
	_ =	sdelay $0x1  }
0xa6: {  	v4 =	vadd.s32 v1, v4;
	_ =	sdelay $0x3  }
0xa7: {  	s28 =	simm.s32 $0x12400;
	v3 =	vperm.xlane v3, v2  }
0xa8: {  	[tilespmem:s28], [sflag:$0x2] =	stream.indirect_vreg.gather [hbm4b:s3+s22], $0x80, v4, vm0, $0xb8;
	[tilespmem:$0x18400] =	vst v63  }
0xa9: {  	s29 =	simm.s32 $0x12C00;
	v3 =	vadd.s32 v1, v3  }
0xaa: {  	[tilespmem:s29], [sflag:$0x2] =	stream.indirect_vreg.gather [hbm4b:s9+s22], $0x80, v4, vm0, $0xb8;
	[tilespmem:$0x18400] =	vst v63  }
0xab: {  	s24 =	simm.s32 $0x13400  }
0xac: {  	[tilespmem:s24], [sflag:$0x2] =	stream.indirect_vreg.gather [hbm4b:s10+s22], $0x80, v4, vm0, $0xb8;
	[tilespmem:$0x18400] =	vst v63  }
0xad: {  	s25 =	simm.s32 $0x13C00  }
0xae: {  	[tilespmem:s25], [sflag:$0x2] =	stream.indirect_vreg.gather [hbm4b:s3+s22], $0x80, v3, vm0, $0xb8;
	[tilespmem:$0x18400] =	vst v63  }
0xaf: {  	s26 =	simm.s32 $0x14400  }
0xb0: {  	[tilespmem:s26], [sflag:$0x2] =	stream.indirect_vreg.gather [hbm4b:s9+s22], $0x80, v3, vm0, $0xb8;
	[tilespmem:$0x18400] =	vst v63  }
0xb1: {  	s28 =	simm.s32 $0x14C00  }
0xb2: {  	[tilespmem:s28], [sflag:$0x2] =	stream.indirect_vreg.gather [hbm4b:s10+s22], $0x80, v3, vm0, $0xb8;
	[tilespmem:$0x18400] =	vst v63  }
0xb3: {  	v3 =	vld [tilespmem:$0x230];
	_ =	sdelay $0x4  }
0xb4: {  	v63 =	vshrl.u32 v3, $0x3  }
0xb5: {  	v4 =	vmul.u32 $0x30, v63  }
0xb6: {  	v3 =	vand.u32 $0x7, v3  }
0xb7: {  	v3 =	vor.u32 v3, v4  }
0xb8: {  	v4 =	vperm.xlane v3, v0;
	_ =	sdelay $0x1  }
0xb9: {  	v4 =	vadd.s32 v1, v4;
	_ =	sdelay $0x3  }
0xba: {  	s29 =	simm.s32 $0x15400;
	v3 =	vperm.xlane v3, v2  }
0xbb: {  	[tilespmem:s29], [sflag:$0x2] =	stream.indirect_vreg.gather [hbm4b:s3+s22], $0x80, v4, vm0, $0xb8;
	[tilespmem:$0x18400] =	vst v63  }
0xbc: {  	s24 =	simm.s32 $0x15C00;
	v3 =	vadd.s32 v1, v3  }
0xbd: {  	[tilespmem:s24], [sflag:$0x2] =	stream.indirect_vreg.gather [hbm4b:s9+s22], $0x80, v4, vm0, $0xb8;
	[tilespmem:$0x18400] =	vst v63  }
0xbe: {  	s25 =	simm.s32 $0x16400  }
0xbf: {  	[tilespmem:s25], [sflag:$0x2] =	stream.indirect_vreg.gather [hbm4b:s10+s22], $0x80, v4, vm0, $0xb8;
	[tilespmem:$0x18400] =	vst v63  }
0xc0: {  	s26 =	simm.s32 $0x16C00  }
0xc1: {  	[tilespmem:s26], [sflag:$0x2] =	stream.indirect_vreg.gather [hbm4b:s3+s22], $0x80, v3, vm0, $0xb8;
	[tilespmem:$0x18400] =	vst v63  }
0xc2: {  	s28 =	simm.s32 $0x17400  }
0xc3: {  	[tilespmem:s28], [sflag:$0x2] =	stream.indirect_vreg.gather [hbm4b:s9+s22], $0x80, v3, vm0, $0xb8;
	[tilespmem:$0x18400] =	vst v63  }
0xc4: {  	s29 =	simm.s32 $0x17C00  }
0xc5: {  	[tilespmem:s29], [sflag:$0x2] =	stream.indirect_vreg.gather [hbm4b:s10+s22], $0x80, v3, vm0, $0xb8;
	[tilespmem:$0x18400] =	vst v63  }
0xc6: {  	_ =	swait.ge [sflag:s20], $0xC000  }
0xc7: {  	[sflag:s20] =	ssyncset.done $0x0  }
0xc8: {  	s23 =	simm.s32 $0x0;
	[sflag:s20] =	ssyncadd.s32 $0xFFFF4000  }
.LBB2_3:
0xc9: {  	s24 =	sand.u32 $0x7, s22  }
0xca: {  	s24 =	sshll.u32 s24, $0x9  }
0xcb: {  	s24 =	sshrl.u32 s24, $0x2  }
0xcc: {  	s25 =	sshrl.u32 s23, $0x3;
	v3 =	vmov s24  }
0xcd: {  	s25 =	smul.u32 $0x6000, s25;
	_ =	sdelay $0x1  }
0xce: {  	s25 =	sshra.s32 s25, $0x2  }
0xcf: {  	s28 =	sadd.s32 $0xC440, s25  }
0xd0: {  	v4 =	vld.idx.msk [tilespmem:v3+s28+$0xFFFFFFC0 ss:$0x1], $0xffff;
	_ =	sdelay $0x2  }
0xd1: {  	s25 =	sor.u32 $0x400, s25  }
0xd2: {  	s29 =	sadd.s32 s24, s25  }
0xd3: {  	[tilespmem:s29+$0x0] =	vst.add.f32.msk $0xffff, v4  }
0xd4: {  	v4 =	vld.idx.msk [tilespmem:v3+s28+$0xFFFFFFD0 ss:$0x1], $0xffff;
	_ =	sdelay $0x4  }
0xd5: {  	[tilespmem:s29+$0x10] =	vst.add.f32.msk $0xffff, v4  }
0xd6: {  	v4 =	vld.idx.msk [tilespmem:v3+s28+$0xFFFFFFE0 ss:$0x1], $0xffff;
	_ =	sdelay $0x4  }
0xd7: {  	[tilespmem:s29+$0x20] =	vst.add.f32.msk $0xffff, v4  }
0xd8: {  	v4 =	vld.idx.msk [tilespmem:v3+s28+$0xFFFFFFF0 ss:$0x1], $0xffff;
	_ =	sdelay $0x4  }
0xd9: {  	[tilespmem:s29+$0x30] =	vst.add.f32.msk $0xffff, v4  }
0xda: {  	v4 =	vld.idx.msk [tilespmem:v3+s28+$0x0 ss:$0x1], $0xffff;
	_ =	sdelay $0x4  }
0xdb: {  	[tilespmem:s29+$0x40] =	vst.add.f32.msk $0xffff, v4  }
0xdc: {  	v4 =	vld.idx.msk [tilespmem:v3+s28+$0x10 ss:$0x1], $0xffff;
	_ =	sdelay $0x4  }
0xdd: {  	[tilespmem:s29+$0x50] =	vst.add.f32.msk $0xffff, v4  }
0xde: {  	v4 =	vld.idx.msk [tilespmem:v3+s28+$0x20 ss:$0x1], $0xffff;
	_ =	sdelay $0x4  }
0xdf: {  	[tilespmem:s29+$0x60] =	vst.add.f32.msk $0xffff, v4  }
0xe0: {  	v4 =	vld.idx.msk [tilespmem:v3+s28+$0x30 ss:$0x1], $0xffff;
	_ =	sdelay $0x4  }
0xe1: {  	s26 =	simm.s32 $0x0;
	s28 =	sadd.s32 $0x400, s28;
	[tilespmem:s29+$0x70] =	vst.add.f32.msk $0xffff, v4  }
.LBB2_4:
0xe2: {  	v4 =	vld.idx.msk [tilespmem:v3+s28+$0xFFFFFFC0 ss:$0x1], $0xffff;
	s26 =	sadd.s32 $0x8, s26  }
0xe3: {  	p1 =	slt.u32 s26, $0x28;
	_ =	sdelay $0x2  }
0xe4: {  	s25 =	sadd.s32 $0x400, s25  }
0xe5: {  	s29 =	sadd.s32 s24, s25  }
0xe6: {  	[tilespmem:s29+$0x0] =	vst.add.f32.msk $0xffff, v4  }
0xe7: {  	v4 =	vld.idx.msk [tilespmem:v3+s28+$0xFFFFFFD0 ss:$0x1], $0xffff;
	_ =	sdelay $0x5  }
0xe8: {  	[tilespmem:s29+$0x10] =	vst.add.f32.msk $0xffff, v4  }
0xe9: {  	v4 =	vld.idx.msk [tilespmem:v3+s28+$0xFFFFFFE0 ss:$0x1], $0xffff;
	_ =	sdelay $0x5  }
0xea: {  	[tilespmem:s29+$0x20] =	vst.add.f32.msk $0xffff, v4  }
0xeb: {  	v4 =	vld.idx.msk [tilespmem:v3+s28+$0xFFFFFFF0 ss:$0x1], $0xffff;
	_ =	sdelay $0x5  }
0xec: {  	[tilespmem:s29+$0x30] =	vst.add.f32.msk $0xffff, v4  }
0xed: {  	v4 =	vld.idx.msk [tilespmem:v3+s28+$0x0 ss:$0x1], $0xffff;
	_ =	sdelay $0x5  }
0xee: {  	[tilespmem:s29+$0x40] =	vst.add.f32.msk $0xffff, v4  }
0xef: {  	v4 =	vld.idx.msk [tilespmem:v3+s28+$0x10 ss:$0x1], $0xffff;
	_ =	sdelay $0x5  }
0xf0: {  	[tilespmem:s29+$0x50] =	vst.add.f32.msk $0xffff, v4  }
0xf1: {  	v4 =	vld.idx.msk [tilespmem:v3+s28+$0x20 ss:$0x1], $0xffff;
	_ =	sdelay $0x5  }
0xf2: {  	[tilespmem:s29+$0x60] =	vst.add.f32.msk $0xffff, v4  }
0xf3: {  	v4 =	vld.idx.msk [tilespmem:v3+s28+$0x30 ss:$0x1], $0xffff;
	_ =	sdelay $0x1  }
.Ltmp3:
0xf4: {  	(pc) =	sbr.rel @p1 .LBB2_4-.Ltmp3, $2  }
0xf5: {  	_ =	sdelay $0x2  }
0xf6: {  	s28 =	sadd.s32 $0x400, s28;
	[tilespmem:s29+$0x70] =	vst.add.f32.msk $0xffff, v4  }
0xf7: {  	s23 =	sadd.s32 $0x1, s23  }
0xf8: {  	p1 =	sne.s32 s23, $0x40  }
.Ltmp4:
0xf9: {  	_ = 	snop;
	(pc) =	sbr.rel @p1 .LBB2_3-.Ltmp4, $2  }
0xfa: {  	_ =	sdelay $0x2  }
0xfb: {  	s22 =	sadd.s32 $0x1, s22  }
.LBB2_6:
0xfc: {  	s22 =	rddreg [dreg:$0x8]  }
0xfd: {  	[hbm4b:s22+s4] =	stream.linear.scatter [tilespmem:s17], [sflag:$0x3], $0xC000, $0x38;
	[tilespmem:$0x18400] =	vst v63  }
0xfe: {  	_ =	swait.ge [sflag:s16], $0xC000  }
0xff: {  	[sflag:s16] =	ssyncset.done $0x0  }
0x100: {  	[sflag:s16] =	ssyncadd.s32 $0xFFFF4000  }
0x101: {  	v3 =	vld [tilespmem:$0x80];
	_ =	sdelay $0x4  }
0x102: {  	v4 =	vshrl.u32 v3, $0x3  }
0x103: {  	v4 =	vmul.u32 $0x30, v4  }
0x104: {  	v3 =	vand.u32 $0x7, v3  }
0x105: {  	v3 =	vor.u32 v3, v4  }
0x106: {  	v4 =	vperm.xlane v3, v0;
	_ =	sdelay $0x1  }
0x107: {  	v4 =	vadd.s32 v1, v4;
	_ =	sdelay $0x3  }
0x108: {  	v3 =	vperm.xlane v3, v2  }
0x109: {  	[tilespmem:s17], [sflag:$0x1] =	stream.indirect_vreg.gather [hbm4b:s1+s4], $0x80, v4, vm0, $0xb8;
	[tilespmem:$0x18400] =	vst v63  }
0x10a: {  	s24 =	simm.s32 $0xC00;
	v3 =	vadd.s32 v1, v3  }
0x10b: {  	[tilespmem:s24], [sflag:$0x1] =	stream.indirect_vreg.gather [hbm4b:s7+s4], $0x80, v4, vm0, $0xb8;
	[tilespmem:$0x18400] =	vst v63  }
0x10c: {  	s25 =	simm.s32 $0x1400  }
0x10d: {  	[tilespmem:s25], [sflag:$0x1] =	stream.indirect_vreg.gather [hbm4b:s8+s4], $0x80, v4, vm0, $0xb8;
	[tilespmem:$0x18400] =	vst v63  }
0x10e: {  	s26 =	simm.s32 $0x1C00  }
0x10f: {  	[tilespmem:s26], [sflag:$0x1] =	stream.indirect_vreg.gather [hbm4b:s1+s4], $0x80, v3, vm0, $0xb8;
	[tilespmem:$0x18400] =	vst v63  }
0x110: {  	s28 =	simm.s32 $0x2400  }
0x111: {  	[tilespmem:s28], [sflag:$0x1] =	stream.indirect_vreg.gather [hbm4b:s7+s4], $0x80, v3, vm0, $0xb8;
	[tilespmem:$0x18400] =	vst v63  }
0x112: {  	s29 =	simm.s32 $0x2C00  }
0x113: {  	[tilespmem:s29], [sflag:$0x1] =	stream.indirect_vreg.gather [hbm4b:s8+s4], $0x80, v3, vm0, $0xb8;
	[tilespmem:$0x18400] =	vst v63  }
0x114: {  	v3 =	vld [tilespmem:$0x90];
	_ =	sdelay $0x4  }
0x115: {  	v61 =	vshrl.u32 v3, $0x3  }
0x116: {  	v4 =	vmul.u32 $0x30, v61  }
0x117: {  	v3 =	vand.u32 $0x7, v3  }
0x118: {  	v3 =	vor.u32 v3, v4  }
0x119: {  	v4 =	vperm.xlane v3, v0;
	_ =	sdelay $0x1  }
0x11a: {  	v4 =	vadd.s32 v1, v4;
	_ =	sdelay $0x3  }
0x11b: {  	s23 =	simm.s32 $0x3400;
	v3 =	vperm.xlane v3, v2  }
0x11c: {  	[tilespmem:s23], [sflag:$0x1] =	stream.indirect_vreg.gather [hbm4b:s1+s4], $0x80, v4, vm0, $0xb8;
	[tilespmem:$0x18400] =	vst v63  }
0x11d: {  	s24 =	simm.s32 $0x3C00;
	v3 =	vadd.s32 v1, v3  }
0x11e: {  	[tilespmem:s24], [sflag:$0x1] =	stream.indirect_vreg.gather [hbm4b:s7+s4], $0x80, v4, vm0, $0xb8;
	[tilespmem:$0x18400] =	vst v63  }
0x11f: {  	s25 =	simm.s32 $0x4400  }
0x120: {  	[tilespmem:s25], [sflag:$0x1] =	stream.indirect_vreg.gather [hbm4b:s8+s4], $0x80, v4, vm0, $0xb8;
	[tilespmem:$0x18400] =	vst v63  }
0x121: {  	s26 =	simm.s32 $0x4C00  }
0x122: {  	[tilespmem:s26], [sflag:$0x1] =	stream.indirect_vreg.gather [hbm4b:s1+s4], $0x80, v3, vm0, $0xb8;
	[tilespmem:$0x18400] =	vst v63  }
0x123: {  	s28 =	simm.s32 $0x5400  }
0x124: {  	[tilespmem:s28], [sflag:$0x1] =	stream.indirect_vreg.gather [hbm4b:s7+s4], $0x80, v3, vm0, $0xb8;
	[tilespmem:$0x18400] =	vst v63  }
0x125: {  	s29 =	simm.s32 $0x5C00  }
0x126: {  	[tilespmem:s29], [sflag:$0x1] =	stream.indirect_vreg.gather [hbm4b:s8+s4], $0x80, v3, vm0, $0xb8;
	[tilespmem:$0x18400] =	vst v63  }
0x127: {  	v3 =	vld [tilespmem:$0xA0];
	_ =	sdelay $0x4  }
0x128: {  	v62 =	vshrl.u32 v3, $0x3  }
0x129: {  	v4 =	vmul.u32 $0x30, v62  }
0x12a: {  	v3 =	vand.u32 $0x7, v3  }
0x12b: {  	v3 =	vor.u32 v3, v4  }
0x12c: {  	v4 =	vperm.xlane v3, v0;
	_ =	sdelay $0x1  }
0x12d: {  	v4 =	vadd.s32 v1, v4;
	_ =	sdelay $0x3  }
0x12e: {  	v3 =	vperm.xlane v3, v2  }
0x12f: {  	[tilespmem:s30], [sflag:$0x1] =	stream.indirect_vreg.gather [hbm4b:s1+s4], $0x80, v4, vm0, $0xb8;
	[tilespmem:$0x18400] =	vst v63  }
0x130: {  	v3 =	vadd.s32 v1, v3  }
0x131: {  	[tilespmem:s31], [sflag:$0x1] =	stream.indirect_vreg.gather [hbm4b:s7+s4], $0x80, v4, vm0, $0xb8;
	[tilespmem:$0x18400] =	vst v63  }
0x132: {  	_ = 	snop  }
0x133: {  	[tilespmem:s0], [sflag:$0x1] =	stream.indirect_vreg.gather [hbm4b:s8+s4], $0x80, v4, vm0, $0xb8;
	[tilespmem:$0x18400] =	vst v63  }
0x134: {  	_ = 	snop  }
0x135: {  	[tilespmem:s2], [sflag:$0x1] =	stream.indirect_vreg.gather [hbm4b:s1+s4], $0x80, v3, vm0, $0xb8;
	[tilespmem:$0x18400] =	vst v63  }
0x136: {  	_ = 	snop  }
0x137: {  	[tilespmem:s5], [sflag:$0x1] =	stream.indirect_vreg.gather [hbm4b:s7+s4], $0x80, v3, vm0, $0xb8;
	[tilespmem:$0x18400] =	vst v63  }
0x138: {  	_ = 	snop  }
0x139: {  	[tilespmem:s6], [sflag:$0x1] =	stream.indirect_vreg.gather [hbm4b:s8+s4], $0x80, v3, vm0, $0xb8;
	[tilespmem:$0x18400] =	vst v63  }
0x13a: {  	v3 =	vld [tilespmem:$0xB0];
	_ =	sdelay $0x4  }
0x13b: {  	v63 =	vshrl.u32 v3, $0x3  }
0x13c: {  	v4 =	vmul.u32 $0x30, v63  }
0x13d: {  	v3 =	vand.u32 $0x7, v3  }
0x13e: {  	v3 =	vor.u32 v3, v4  }
0x13f: {  	v4 =	vperm.xlane v3, v0;
	_ =	sdelay $0x1  }
0x140: {  	v4 =	vadd.s32 v1, v4;
	_ =	sdelay $0x3  }
0x141: {  	v3 =	vperm.xlane v3, v2  }
0x142: {  	[tilespmem:s12], [sflag:$0x1] =	stream.indirect_vreg.gather [hbm4b:s1+s4], $0x80, v4, vm0, $0xb8;
	[tilespmem:$0x18400] =	vst v63  }
0x143: {  	v3 =	vadd.s32 v1, v3  }
0x144: {  	[tilespmem:s13], [sflag:$0x1] =	stream.indirect_vreg.gather [hbm4b:s7+s4], $0x80, v4, vm0, $0xb8;
	[tilespmem:$0x18400] =	vst v63  }
0x145: {  	_ = 	snop  }
0x146: {  	[tilespmem:s14], [sflag:$0x1] =	stream.indirect_vreg.gather [hbm4b:s8+s4], $0x80, v4, vm0, $0xb8;
	[tilespmem:$0x18400] =	vst v63  }
0x147: {  	_ = 	snop  }
0x148: {  	[tilespmem:s15], [sflag:$0x1] =	stream.indirect_vreg.gather [hbm4b:s1+s4], $0x80, v3, vm0, $0xb8;
	[tilespmem:$0x18400] =	vst v63  }
0x149: {  	_ = 	snop  }
0x14a: {  	[tilespmem:s11], [sflag:$0x1] =	stream.indirect_vreg.gather [hbm4b:s7+s4], $0x80, v3, vm0, $0xb8;
	[tilespmem:$0x18400] =	vst v63  }
.Ltmp5:
0x14b: {  	_ = 	snop;
	(pc) =	sbr.rel @p0 .LBB2_11-.Ltmp5, $4  }
0x14c: {  	[tilespmem:s18], [sflag:$0x1] =	stream.indirect_vreg.gather [hbm4b:s8+s4], $0x80, v3, vm0, $0xb8;
	[tilespmem:$0x18400] =	vst v63  }
0x14d: {  	_ =	swait.ge [sflag:s19], $0xC000  }
0x14e: {  	[sflag:s19] =	ssyncset.done $0x0  }
0x14f: {  	[sflag:s19] =	ssyncadd.s32 $0xFFFF4000  }
0x150: {  	v3 =	vld [tilespmem:$0x280];
	_ =	sdelay $0x4  }
0x151: {  	v4 =	vshrl.u32 v3, $0x3  }
0x152: {  	v4 =	vmul.u32 $0x30, v4  }
0x153: {  	v3 =	vand.u32 $0x7, v3  }
0x154: {  	v3 =	vor.u32 v3, v4  }
0x155: {  	v4 =	vperm.xlane v3, v0;
	_ =	sdelay $0x1  }
0x156: {  	v4 =	vadd.s32 v1, v4;
	_ =	sdelay $0x3  }
0x157: {  	s22 =	simm.s32 $0x0;
	s23 =	simm.s32 $0xC400;
	v3 =	vperm.xlane v3, v2  }
0x158: {  	[tilespmem:s23], [sflag:$0x2] =	stream.indirect_vreg.gather [hbm4b:s3+s22], $0x80, v4, vm0, $0xb8;
	[tilespmem:$0x18400] =	vst v63  }
0x159: {  	s26 =	simm.s32 $0xCC00;
	v3 =	vadd.s32 v1, v3  }
0x15a: {  	[tilespmem:s26], [sflag:$0x2] =	stream.indirect_vreg.gather [hbm4b:s9+s22], $0x80, v4, vm0, $0xb8;
	[tilespmem:$0x18400] =	vst v63  }
0x15b: {  	s28 =	simm.s32 $0xD400  }
0x15c: {  	[tilespmem:s28], [sflag:$0x2] =	stream.indirect_vreg.gather [hbm4b:s10+s22], $0x80, v4, vm0, $0xb8;
	[tilespmem:$0x18400] =	vst v63  }
0x15d: {  	s29 =	simm.s32 $0xDC00  }
0x15e: {  	[tilespmem:s29], [sflag:$0x2] =	stream.indirect_vreg.gather [hbm4b:s3+s22], $0x80, v3, vm0, $0xb8;
	[tilespmem:$0x18400] =	vst v63  }
0x15f: {  	s24 =	simm.s32 $0xE400  }
0x160: {  	[tilespmem:s24], [sflag:$0x2] =	stream.indirect_vreg.gather [hbm4b:s9+s22], $0x80, v3, vm0, $0xb8;
	[tilespmem:$0x18400] =	vst v63  }
0x161: {  	s25 =	simm.s32 $0xEC00  }
0x162: {  	[tilespmem:s25], [sflag:$0x2] =	stream.indirect_vreg.gather [hbm4b:s10+s22], $0x80, v3, vm0, $0xb8;
	[tilespmem:$0x18400] =	vst v63  }
0x163: {  	v3 =	vld [tilespmem:$0x290];
	_ =	sdelay $0x4  }
0x164: {  	v61 =	vshrl.u32 v3, $0x3  }
0x165: {  	v4 =	vmul.u32 $0x30, v61  }
0x166: {  	v3 =	vand.u32 $0x7, v3  }
0x167: {  	v3 =	vor.u32 v3, v4  }
0x168: {  	v4 =	vperm.xlane v3, v0;
	_ =	sdelay $0x1  }
0x169: {  	v4 =	vadd.s32 v1, v4;
	_ =	sdelay $0x3  }
0x16a: {  	s26 =	simm.s32 $0xF400;
	v3 =	vperm.xlane v3, v2  }
0x16b: {  	[tilespmem:s26], [sflag:$0x2] =	stream.indirect_vreg.gather [hbm4b:s3+s22], $0x80, v4, vm0, $0xb8;
	[tilespmem:$0x18400] =	vst v63  }
0x16c: {  	s28 =	simm.s32 $0xFC00;
	v3 =	vadd.s32 v1, v3  }
0x16d: {  	[tilespmem:s28], [sflag:$0x2] =	stream.indirect_vreg.gather [hbm4b:s9+s22], $0x80, v4, vm0, $0xb8;
	[tilespmem:$0x18400] =	vst v63  }
0x16e: {  	s29 =	simm.s32 $0x10400  }
0x16f: {  	[tilespmem:s29], [sflag:$0x2] =	stream.indirect_vreg.gather [hbm4b:s10+s22], $0x80, v4, vm0, $0xb8;
	[tilespmem:$0x18400] =	vst v63  }
0x170: {  	s24 =	simm.s32 $0x10C00  }
0x171: {  	[tilespmem:s24], [sflag:$0x2] =	stream.indirect_vreg.gather [hbm4b:s3+s22], $0x80, v3, vm0, $0xb8;
	[tilespmem:$0x18400] =	vst v63  }
0x172: {  	s25 =	simm.s32 $0x11400  }
0x173: {  	[tilespmem:s25], [sflag:$0x2] =	stream.indirect_vreg.gather [hbm4b:s9+s22], $0x80, v3, vm0, $0xb8;
	[tilespmem:$0x18400] =	vst v63  }
0x174: {  	s26 =	simm.s32 $0x11C00  }
0x175: {  	[tilespmem:s26], [sflag:$0x2] =	stream.indirect_vreg.gather [hbm4b:s10+s22], $0x80, v3, vm0, $0xb8;
	[tilespmem:$0x18400] =	vst v63  }
0x176: {  	v3 =	vld [tilespmem:$0x2A0];
	_ =	sdelay $0x4  }
0x177: {  	v62 =	vshrl.u32 v3, $0x3  }
0x178: {  	v4 =	vmul.u32 $0x30, v62  }
0x179: {  	v3 =	vand.u32 $0x7, v3  }
0x17a: {  	v3 =	vor.u32 v3, v4  }
0x17b: {  	v4 =	vperm.xlane v3, v0;
	_ =	sdelay $0x1  }
0x17c: {  	v4 =	vadd.s32 v1, v4;
	_ =	sdelay $0x3  }
0x17d: {  	s28 =	simm.s32 $0x12400;
	v3 =	vperm.xlane v3, v2  }
0x17e: {  	[tilespmem:s28], [sflag:$0x2] =	stream.indirect_vreg.gather [hbm4b:s3+s22], $0x80, v4, vm0, $0xb8;
	[tilespmem:$0x18400] =	vst v63  }
0x17f: {  	s29 =	simm.s32 $0x12C00;
	v3 =	vadd.s32 v1, v3  }
0x180: {  	[tilespmem:s29], [sflag:$0x2] =	stream.indirect_vreg.gather [hbm4b:s9+s22], $0x80, v4, vm0, $0xb8;
	[tilespmem:$0x18400] =	vst v63  }
0x181: {  	s24 =	simm.s32 $0x13400  }
0x182: {  	[tilespmem:s24], [sflag:$0x2] =	stream.indirect_vreg.gather [hbm4b:s10+s22], $0x80, v4, vm0, $0xb8;
	[tilespmem:$0x18400] =	vst v63  }
0x183: {  	s25 =	simm.s32 $0x13C00  }
0x184: {  	[tilespmem:s25], [sflag:$0x2] =	stream.indirect_vreg.gather [hbm4b:s3+s22], $0x80, v3, vm0, $0xb8;
	[tilespmem:$0x18400] =	vst v63  }
0x185: {  	s26 =	simm.s32 $0x14400  }
0x186: {  	[tilespmem:s26], [sflag:$0x2] =	stream.indirect_vreg.gather [hbm4b:s9+s22], $0x80, v3, vm0, $0xb8;
	[tilespmem:$0x18400] =	vst v63  }
0x187: {  	s28 =	simm.s32 $0x14C00  }
0x188: {  	[tilespmem:s28], [sflag:$0x2] =	stream.indirect_vreg.gather [hbm4b:s10+s22], $0x80, v3, vm0, $0xb8;
	[tilespmem:$0x18400] =	vst v63  }
0x189: {  	v3 =	vld [tilespmem:$0x2B0];
	_ =	sdelay $0x4  }
0x18a: {  	v63 =	vshrl.u32 v3, $0x3  }
0x18b: {  	v4 =	vmul.u32 $0x30, v63  }
0x18c: {  	v3 =	vand.u32 $0x7, v3  }
0x18d: {  	v3 =	vor.u32 v3, v4  }
0x18e: {  	v4 =	vperm.xlane v3, v0;
	_ =	sdelay $0x1  }
0x18f: {  	v4 =	vadd.s32 v1, v4;
	_ =	sdelay $0x3  }
0x190: {  	s29 =	simm.s32 $0x15400;
	v3 =	vperm.xlane v3, v2  }
0x191: {  	[tilespmem:s29], [sflag:$0x2] =	stream.indirect_vreg.gather [hbm4b:s3+s22], $0x80, v4, vm0, $0xb8;
	[tilespmem:$0x18400] =	vst v63  }
0x192: {  	s24 =	simm.s32 $0x15C00;
	v3 =	vadd.s32 v1, v3  }
0x193: {  	[tilespmem:s24], [sflag:$0x2] =	stream.indirect_vreg.gather [hbm4b:s9+s22], $0x80, v4, vm0, $0xb8;
	[tilespmem:$0x18400] =	vst v63  }
0x194: {  	s25 =	simm.s32 $0x16400  }
0x195: {  	[tilespmem:s25], [sflag:$0x2] =	stream.indirect_vreg.gather [hbm4b:s10+s22], $0x80, v4, vm0, $0xb8;
	[tilespmem:$0x18400] =	vst v63  }
0x196: {  	s26 =	simm.s32 $0x16C00  }
0x197: {  	[tilespmem:s26], [sflag:$0x2] =	stream.indirect_vreg.gather [hbm4b:s3+s22], $0x80, v3, vm0, $0xb8;
	[tilespmem:$0x18400] =	vst v63  }
0x198: {  	s28 =	simm.s32 $0x17400  }
0x199: {  	[tilespmem:s28], [sflag:$0x2] =	stream.indirect_vreg.gather [hbm4b:s9+s22], $0x80, v3, vm0, $0xb8;
	[tilespmem:$0x18400] =	vst v63  }
0x19a: {  	s29 =	simm.s32 $0x17C00  }
0x19b: {  	[tilespmem:s29], [sflag:$0x2] =	stream.indirect_vreg.gather [hbm4b:s10+s22], $0x80, v3, vm0, $0xb8;
	[tilespmem:$0x18400] =	vst v63  }
0x19c: {  	_ =	swait.ge [sflag:s20], $0xC000  }
0x19d: {  	[sflag:s20] =	ssyncset.done $0x0  }
0x19e: {  	s23 =	simm.s32 $0x0;
	[sflag:s20] =	ssyncadd.s32 $0xFFFF4000  }
.LBB2_8:
0x19f: {  	s24 =	sand.u32 $0x7, s22  }
0x1a0: {  	s24 =	sshll.u32 s24, $0x9  }
0x1a1: {  	s24 =	sshrl.u32 s24, $0x2  }
0x1a2: {  	s25 =	sshrl.u32 s23, $0x3;
	v3 =	vmov s24  }
0x1a3: {  	s25 =	smul.u32 $0x6000, s25;
	_ =	sdelay $0x1  }
0x1a4: {  	s25 =	sshra.s32 s25, $0x2  }
0x1a5: {  	s28 =	sadd.s32 $0xC440, s25  }
0x1a6: {  	v4 =	vld.idx.msk [tilespmem:v3+s28+$0xFFFFFFC0 ss:$0x1], $0xffff;
	_ =	sdelay $0x2  }
0x1a7: {  	s25 =	sor.u32 $0x400, s25  }
0x1a8: {  	s29 =	sadd.s32 s24, s25  }
0x1a9: {  	[tilespmem:s29+$0x0] =	vst.add.f32.msk $0xffff, v4  }
0x1aa: {  	v4 =	vld.idx.msk [tilespmem:v3+s28+$0xFFFFFFD0 ss:$0x1], $0xffff;
	_ =	sdelay $0x4  }
0x1ab: {  	[tilespmem:s29+$0x10] =	vst.add.f32.msk $0xffff, v4  }
0x1ac: {  	v4 =	vld.idx.msk [tilespmem:v3+s28+$0xFFFFFFE0 ss:$0x1], $0xffff;
	_ =	sdelay $0x4  }
0x1ad: {  	[tilespmem:s29+$0x20] =	vst.add.f32.msk $0xffff, v4  }
0x1ae: {  	v4 =	vld.idx.msk [tilespmem:v3+s28+$0xFFFFFFF0 ss:$0x1], $0xffff;
	_ =	sdelay $0x4  }
0x1af: {  	[tilespmem:s29+$0x30] =	vst.add.f32.msk $0xffff, v4  }
0x1b0: {  	v4 =	vld.idx.msk [tilespmem:v3+s28+$0x0 ss:$0x1], $0xffff;
	_ =	sdelay $0x4  }
0x1b1: {  	[tilespmem:s29+$0x40] =	vst.add.f32.msk $0xffff, v4  }
0x1b2: {  	v4 =	vld.idx.msk [tilespmem:v3+s28+$0x10 ss:$0x1], $0xffff;
	_ =	sdelay $0x4  }
0x1b3: {  	[tilespmem:s29+$0x50] =	vst.add.f32.msk $0xffff, v4  }
0x1b4: {  	v4 =	vld.idx.msk [tilespmem:v3+s28+$0x20 ss:$0x1], $0xffff;
	_ =	sdelay $0x4  }
0x1b5: {  	[tilespmem:s29+$0x60] =	vst.add.f32.msk $0xffff, v4  }
0x1b6: {  	v4 =	vld.idx.msk [tilespmem:v3+s28+$0x30 ss:$0x1], $0xffff;
	_ =	sdelay $0x4  }
0x1b7: {  	s26 =	simm.s32 $0x0;
	s28 =	sadd.s32 $0x400, s28;
	[tilespmem:s29+$0x70] =	vst.add.f32.msk $0xffff, v4  }
.LBB2_9:
0x1b8: {  	v4 =	vld.idx.msk [tilespmem:v3+s28+$0xFFFFFFC0 ss:$0x1], $0xffff;
	s26 =	sadd.s32 $0x8, s26  }
0x1b9: {  	p1 =	slt.u32 s26, $0x28;
	_ =	sdelay $0x2  }
0x1ba: {  	s25 =	sadd.s32 $0x400, s25  }
0x1bb: {  	s29 =	sadd.s32 s24, s25  }
0x1bc: {  	[tilespmem:s29+$0x0] =	vst.add.f32.msk $0xffff, v4  }
0x1bd: {  	v4 =	vld.idx.msk [tilespmem:v3+s28+$0xFFFFFFD0 ss:$0x1], $0xffff;
	_ =	sdelay $0x5  }
0x1be: {  	[tilespmem:s29+$0x10] =	vst.add.f32.msk $0xffff, v4  }
0x1bf: {  	v4 =	vld.idx.msk [tilespmem:v3+s28+$0xFFFFFFE0 ss:$0x1], $0xffff;
	_ =	sdelay $0x5  }
0x1c0: {  	[tilespmem:s29+$0x20] =	vst.add.f32.msk $0xffff, v4  }
0x1c1: {  	v4 =	vld.idx.msk [tilespmem:v3+s28+$0xFFFFFFF0 ss:$0x1], $0xffff;
	_ =	sdelay $0x5  }
0x1c2: {  	[tilespmem:s29+$0x30] =	vst.add.f32.msk $0xffff, v4  }
0x1c3: {  	v4 =	vld.idx.msk [tilespmem:v3+s28+$0x0 ss:$0x1], $0xffff;
	_ =	sdelay $0x5  }
0x1c4: {  	[tilespmem:s29+$0x40] =	vst.add.f32.msk $0xffff, v4  }
0x1c5: {  	v4 =	vld.idx.msk [tilespmem:v3+s28+$0x10 ss:$0x1], $0xffff;
	_ =	sdelay $0x5  }
0x1c6: {  	[tilespmem:s29+$0x50] =	vst.add.f32.msk $0xffff, v4  }
0x1c7: {  	v4 =	vld.idx.msk [tilespmem:v3+s28+$0x20 ss:$0x1], $0xffff;
	_ =	sdelay $0x5  }
0x1c8: {  	[tilespmem:s29+$0x60] =	vst.add.f32.msk $0xffff, v4  }
0x1c9: {  	v4 =	vld.idx.msk [tilespmem:v3+s28+$0x30 ss:$0x1], $0xffff;
	_ =	sdelay $0x1  }
.Ltmp6:
0x1ca: {  	(pc) =	sbr.rel @p1 .LBB2_9-.Ltmp6, $2  }
0x1cb: {  	_ =	sdelay $0x2  }
0x1cc: {  	s28 =	sadd.s32 $0x400, s28;
	[tilespmem:s29+$0x70] =	vst.add.f32.msk $0xffff, v4  }
0x1cd: {  	s23 =	sadd.s32 $0x1, s23  }
0x1ce: {  	p1 =	sne.s32 s23, $0x40  }
.Ltmp7:
0x1cf: {  	_ = 	snop;
	(pc) =	sbr.rel @p1 .LBB2_8-.Ltmp7, $2  }
0x1d0: {  	_ =	sdelay $0x2  }
0x1d1: {  	s22 =	sadd.s32 $0x1, s22  }
.LBB2_11:
0x1d2: {  	s22 =	rddreg [dreg:$0x9]  }
0x1d3: {  	[hbm4b:s22+s4] =	stream.linear.scatter [tilespmem:s17], [sflag:$0x3], $0xC000, $0x38;
	[tilespmem:$0x18400] =	vst v63  }
0x1d4: {  	_ =	swait.ge [sflag:s16], $0xC000  }
0x1d5: {  	[sflag:s16] =	ssyncset.done $0x0  }
0x1d6: {  	[sflag:s16] =	ssyncadd.s32 $0xFFFF4000  }
0x1d7: {  	v3 =	vld [tilespmem:$0x100];
	_ =	sdelay $0x4  }
0x1d8: {  	v4 =	vshrl.u32 v3, $0x3  }
0x1d9: {  	v4 =	vmul.u32 $0x30, v4  }
0x1da: {  	v3 =	vand.u32 $0x7, v3  }
0x1db: {  	v3 =	vor.u32 v3, v4  }
0x1dc: {  	v4 =	vperm.xlane v3, v0;
	_ =	sdelay $0x1  }
0x1dd: {  	v4 =	vadd.s32 v1, v4;
	_ =	sdelay $0x3  }
0x1de: {  	v3 =	vperm.xlane v3, v2  }
0x1df: {  	[tilespmem:s17], [sflag:$0x1] =	stream.indirect_vreg.gather [hbm4b:s1+s4], $0x80, v4, vm0, $0xb8;
	[tilespmem:$0x18400] =	vst v63  }
0x1e0: {  	s24 =	simm.s32 $0xC00;
	v3 =	vadd.s32 v1, v3  }
0x1e1: {  	[tilespmem:s24], [sflag:$0x1] =	stream.indirect_vreg.gather [hbm4b:s7+s4], $0x80, v4, vm0, $0xb8;
	[tilespmem:$0x18400] =	vst v63  }
0x1e2: {  	s25 =	simm.s32 $0x1400  }
0x1e3: {  	[tilespmem:s25], [sflag:$0x1] =	stream.indirect_vreg.gather [hbm4b:s8+s4], $0x80, v4, vm0, $0xb8;
	[tilespmem:$0x18400] =	vst v63  }
0x1e4: {  	s26 =	simm.s32 $0x1C00  }
0x1e5: {  	[tilespmem:s26], [sflag:$0x1] =	stream.indirect_vreg.gather [hbm4b:s1+s4], $0x80, v3, vm0, $0xb8;
	[tilespmem:$0x18400] =	vst v63  }
0x1e6: {  	s28 =	simm.s32 $0x2400  }
0x1e7: {  	[tilespmem:s28], [sflag:$0x1] =	stream.indirect_vreg.gather [hbm4b:s7+s4], $0x80, v3, vm0, $0xb8;
	[tilespmem:$0x18400] =	vst v63  }
0x1e8: {  	s29 =	simm.s32 $0x2C00  }
0x1e9: {  	[tilespmem:s29], [sflag:$0x1] =	stream.indirect_vreg.gather [hbm4b:s8+s4], $0x80, v3, vm0, $0xb8;
	[tilespmem:$0x18400] =	vst v63  }
0x1ea: {  	v3 =	vld [tilespmem:$0x110];
	_ =	sdelay $0x4  }
0x1eb: {  	v61 =	vshrl.u32 v3, $0x3  }
0x1ec: {  	v4 =	vmul.u32 $0x30, v61  }
0x1ed: {  	v3 =	vand.u32 $0x7, v3  }
0x1ee: {  	v3 =	vor.u32 v3, v4  }
0x1ef: {  	v4 =	vperm.xlane v3, v0;
	_ =	sdelay $0x1  }
0x1f0: {  	v4 =	vadd.s32 v1, v4;
	_ =	sdelay $0x3  }
0x1f1: {  	s23 =	simm.s32 $0x3400;
	v3 =	vperm.xlane v3, v2  }
0x1f2: {  	[tilespmem:s23], [sflag:$0x1] =	stream.indirect_vreg.gather [hbm4b:s1+s4], $0x80, v4, vm0, $0xb8;
	[tilespmem:$0x18400] =	vst v63  }
0x1f3: {  	s24 =	simm.s32 $0x3C00;
	v3 =	vadd.s32 v1, v3  }
0x1f4: {  	[tilespmem:s24], [sflag:$0x1] =	stream.indirect_vreg.gather [hbm4b:s7+s4], $0x80, v4, vm0, $0xb8;
	[tilespmem:$0x18400] =	vst v63  }
0x1f5: {  	s25 =	simm.s32 $0x4400  }
0x1f6: {  	[tilespmem:s25], [sflag:$0x1] =	stream.indirect_vreg.gather [hbm4b:s8+s4], $0x80, v4, vm0, $0xb8;
	[tilespmem:$0x18400] =	vst v63  }
0x1f7: {  	s26 =	simm.s32 $0x4C00  }
0x1f8: {  	[tilespmem:s26], [sflag:$0x1] =	stream.indirect_vreg.gather [hbm4b:s1+s4], $0x80, v3, vm0, $0xb8;
	[tilespmem:$0x18400] =	vst v63  }
0x1f9: {  	s28 =	simm.s32 $0x5400  }
0x1fa: {  	[tilespmem:s28], [sflag:$0x1] =	stream.indirect_vreg.gather [hbm4b:s7+s4], $0x80, v3, vm0, $0xb8;
	[tilespmem:$0x18400] =	vst v63  }
0x1fb: {  	s29 =	simm.s32 $0x5C00  }
0x1fc: {  	[tilespmem:s29], [sflag:$0x1] =	stream.indirect_vreg.gather [hbm4b:s8+s4], $0x80, v3, vm0, $0xb8;
	[tilespmem:$0x18400] =	vst v63  }
0x1fd: {  	v3 =	vld [tilespmem:$0x120];
	_ =	sdelay $0x4  }
0x1fe: {  	v62 =	vshrl.u32 v3, $0x3  }
0x1ff: {  	v4 =	vmul.u32 $0x30, v62  }
0x200: {  	v3 =	vand.u32 $0x7, v3  }
0x201: {  	v3 =	vor.u32 v3, v4  }
0x202: {  	v4 =	vperm.xlane v3, v0;
	_ =	sdelay $0x1  }
0x203: {  	v4 =	vadd.s32 v1, v4;
	_ =	sdelay $0x3  }
0x204: {  	v3 =	vperm.xlane v3, v2  }
0x205: {  	[tilespmem:s30], [sflag:$0x1] =	stream.indirect_vreg.gather [hbm4b:s1+s4], $0x80, v4, vm0, $0xb8;
	[tilespmem:$0x18400] =	vst v63  }
0x206: {  	v3 =	vadd.s32 v1, v3  }
0x207: {  	[tilespmem:s31], [sflag:$0x1] =	stream.indirect_vreg.gather [hbm4b:s7+s4], $0x80, v4, vm0, $0xb8;
	[tilespmem:$0x18400] =	vst v63  }
0x208: {  	_ = 	snop  }
0x209: {  	[tilespmem:s0], [sflag:$0x1] =	stream.indirect_vreg.gather [hbm4b:s8+s4], $0x80, v4, vm0, $0xb8;
	[tilespmem:$0x18400] =	vst v63  }
0x20a: {  	_ = 	snop  }
0x20b: {  	[tilespmem:s2], [sflag:$0x1] =	stream.indirect_vreg.gather [hbm4b:s1+s4], $0x80, v3, vm0, $0xb8;
	[tilespmem:$0x18400] =	vst v63  }
0x20c: {  	_ = 	snop  }
0x20d: {  	[tilespmem:s5], [sflag:$0x1] =	stream.indirect_vreg.gather [hbm4b:s7+s4], $0x80, v3, vm0, $0xb8;
	[tilespmem:$0x18400] =	vst v63  }
0x20e: {  	_ = 	snop  }
0x20f: {  	[tilespmem:s6], [sflag:$0x1] =	stream.indirect_vreg.gather [hbm4b:s8+s4], $0x80, v3, vm0, $0xb8;
	[tilespmem:$0x18400] =	vst v63  }
0x210: {  	v3 =	vld [tilespmem:$0x130];
	_ =	sdelay $0x4  }
0x211: {  	v63 =	vshrl.u32 v3, $0x3  }
0x212: {  	v4 =	vmul.u32 $0x30, v63  }
0x213: {  	v3 =	vand.u32 $0x7, v3  }
0x214: {  	v3 =	vor.u32 v3, v4  }
0x215: {  	v4 =	vperm.xlane v3, v0;
	_ =	sdelay $0x1  }
0x216: {  	v4 =	vadd.s32 v1, v4;
	_ =	sdelay $0x3  }
0x217: {  	v3 =	vperm.xlane v3, v2  }
0x218: {  	[tilespmem:s12], [sflag:$0x1] =	stream.indirect_vreg.gather [hbm4b:s1+s4], $0x80, v4, vm0, $0xb8;
	[tilespmem:$0x18400] =	vst v63  }
0x219: {  	v3 =	vadd.s32 v1, v3  }
0x21a: {  	[tilespmem:s13], [sflag:$0x1] =	stream.indirect_vreg.gather [hbm4b:s7+s4], $0x80, v4, vm0, $0xb8;
	[tilespmem:$0x18400] =	vst v63  }
0x21b: {  	_ = 	snop  }
0x21c: {  	[tilespmem:s14], [sflag:$0x1] =	stream.indirect_vreg.gather [hbm4b:s8+s4], $0x80, v4, vm0, $0xb8;
	[tilespmem:$0x18400] =	vst v63  }
0x21d: {  	_ = 	snop  }
0x21e: {  	[tilespmem:s15], [sflag:$0x1] =	stream.indirect_vreg.gather [hbm4b:s1+s4], $0x80, v3, vm0, $0xb8;
	[tilespmem:$0x18400] =	vst v63  }
0x21f: {  	_ = 	snop  }
0x220: {  	[tilespmem:s11], [sflag:$0x1] =	stream.indirect_vreg.gather [hbm4b:s7+s4], $0x80, v3, vm0, $0xb8;
	[tilespmem:$0x18400] =	vst v63  }
.Ltmp8:
0x221: {  	_ = 	snop;
	(pc) =	sbr.rel @p0 .LBB2_16-.Ltmp8, $4  }
0x222: {  	[tilespmem:s18], [sflag:$0x1] =	stream.indirect_vreg.gather [hbm4b:s8+s4], $0x80, v3, vm0, $0xb8;
	[tilespmem:$0x18400] =	vst v63  }
0x223: {  	_ =	swait.ge [sflag:s19], $0xC000  }
0x224: {  	[sflag:s19] =	ssyncset.done $0x0  }
0x225: {  	[sflag:s19] =	ssyncadd.s32 $0xFFFF4000  }
0x226: {  	v3 =	vld [tilespmem:$0x300];
	_ =	sdelay $0x4  }
0x227: {  	v4 =	vshrl.u32 v3, $0x3  }
0x228: {  	v4 =	vmul.u32 $0x30, v4  }
0x229: {  	v3 =	vand.u32 $0x7, v3  }
0x22a: {  	v3 =	vor.u32 v3, v4  }
0x22b: {  	v4 =	vperm.xlane v3, v0;
	_ =	sdelay $0x1  }
0x22c: {  	v4 =	vadd.s32 v1, v4;
	_ =	sdelay $0x3  }
0x22d: {  	s22 =	simm.s32 $0x0;
	s23 =	simm.s32 $0xC400;
	v3 =	vperm.xlane v3, v2  }
0x22e: {  	[tilespmem:s23], [sflag:$0x2] =	stream.indirect_vreg.gather [hbm4b:s3+s22], $0x80, v4, vm0, $0xb8;
	[tilespmem:$0x18400] =	vst v63  }
0x22f: {  	s26 =	simm.s32 $0xCC00;
	v3 =	vadd.s32 v1, v3  }
0x230: {  	[tilespmem:s26], [sflag:$0x2] =	stream.indirect_vreg.gather [hbm4b:s9+s22], $0x80, v4, vm0, $0xb8;
	[tilespmem:$0x18400] =	vst v63  }
0x231: {  	s28 =	simm.s32 $0xD400  }
0x232: {  	[tilespmem:s28], [sflag:$0x2] =	stream.indirect_vreg.gather [hbm4b:s10+s22], $0x80, v4, vm0, $0xb8;
	[tilespmem:$0x18400] =	vst v63  }
0x233: {  	s29 =	simm.s32 $0xDC00  }
0x234: {  	[tilespmem:s29], [sflag:$0x2] =	stream.indirect_vreg.gather [hbm4b:s3+s22], $0x80, v3, vm0, $0xb8;
	[tilespmem:$0x18400] =	vst v63  }
0x235: {  	s24 =	simm.s32 $0xE400  }
0x236: {  	[tilespmem:s24], [sflag:$0x2] =	stream.indirect_vreg.gather [hbm4b:s9+s22], $0x80, v3, vm0, $0xb8;
	[tilespmem:$0x18400] =	vst v63  }
0x237: {  	s25 =	simm.s32 $0xEC00  }
0x238: {  	[tilespmem:s25], [sflag:$0x2] =	stream.indirect_vreg.gather [hbm4b:s10+s22], $0x80, v3, vm0, $0xb8;
	[tilespmem:$0x18400] =	vst v63  }
0x239: {  	v3 =	vld [tilespmem:$0x310];
	_ =	sdelay $0x4  }
0x23a: {  	v61 =	vshrl.u32 v3, $0x3  }
0x23b: {  	v4 =	vmul.u32 $0x30, v61  }
0x23c: {  	v3 =	vand.u32 $0x7, v3  }
0x23d: {  	v3 =	vor.u32 v3, v4  }
0x23e: {  	v4 =	vperm.xlane v3, v0;
	_ =	sdelay $0x1  }
0x23f: {  	v4 =	vadd.s32 v1, v4;
	_ =	sdelay $0x3  }
0x240: {  	s26 =	simm.s32 $0xF400;
	v3 =	vperm.xlane v3, v2  }
0x241: {  	[tilespmem:s26], [sflag:$0x2] =	stream.indirect_vreg.gather [hbm4b:s3+s22], $0x80, v4, vm0, $0xb8;
	[tilespmem:$0x18400] =	vst v63  }
0x242: {  	s28 =	simm.s32 $0xFC00;
	v3 =	vadd.s32 v1, v3  }
0x243: {  	[tilespmem:s28], [sflag:$0x2] =	stream.indirect_vreg.gather [hbm4b:s9+s22], $0x80, v4, vm0, $0xb8;
	[tilespmem:$0x18400] =	vst v63  }
0x244: {  	s29 =	simm.s32 $0x10400  }
0x245: {  	[tilespmem:s29], [sflag:$0x2] =	stream.indirect_vreg.gather [hbm4b:s10+s22], $0x80, v4, vm0, $0xb8;
	[tilespmem:$0x18400] =	vst v63  }
0x246: {  	s24 =	simm.s32 $0x10C00  }
0x247: {  	[tilespmem:s24], [sflag:$0x2] =	stream.indirect_vreg.gather [hbm4b:s3+s22], $0x80, v3, vm0, $0xb8;
	[tilespmem:$0x18400] =	vst v63  }
0x248: {  	s25 =	simm.s32 $0x11400  }
0x249: {  	[tilespmem:s25], [sflag:$0x2] =	stream.indirect_vreg.gather [hbm4b:s9+s22], $0x80, v3, vm0, $0xb8;
	[tilespmem:$0x18400] =	vst v63  }
0x24a: {  	s26 =	simm.s32 $0x11C00  }
0x24b: {  	[tilespmem:s26], [sflag:$0x2] =	stream.indirect_vreg.gather [hbm4b:s10+s22], $0x80, v3, vm0, $0xb8;
	[tilespmem:$0x18400] =	vst v63  }
0x24c: {  	v3 =	vld [tilespmem:$0x320];
	_ =	sdelay $0x4  }
0x24d: {  	v62 =	vshrl.u32 v3, $0x3  }
0x24e: {  	v4 =	vmul.u32 $0x30, v62  }
0x24f: {  	v3 =	vand.u32 $0x7, v3  }
0x250: {  	v3 =	vor.u32 v3, v4  }
0x251: {  	v4 =	vperm.xlane v3, v0;
	_ =	sdelay $0x1  }
0x252: {  	v4 =	vadd.s32 v1, v4;
	_ =	sdelay $0x3  }
0x253: {  	s28 =	simm.s32 $0x12400;
	v3 =	vperm.xlane v3, v2  }
0x254: {  	[tilespmem:s28], [sflag:$0x2] =	stream.indirect_vreg.gather [hbm4b:s3+s22], $0x80, v4, vm0, $0xb8;
	[tilespmem:$0x18400] =	vst v63  }
0x255: {  	s29 =	simm.s32 $0x12C00;
	v3 =	vadd.s32 v1, v3  }
0x256: {  	[tilespmem:s29], [sflag:$0x2] =	stream.indirect_vreg.gather [hbm4b:s9+s22], $0x80, v4, vm0, $0xb8;
	[tilespmem:$0x18400] =	vst v63  }
0x257: {  	s24 =	simm.s32 $0x13400  }
0x258: {  	[tilespmem:s24], [sflag:$0x2] =	stream.indirect_vreg.gather [hbm4b:s10+s22], $0x80, v4, vm0, $0xb8;
	[tilespmem:$0x18400] =	vst v63  }
0x259: {  	s25 =	simm.s32 $0x13C00  }
0x25a: {  	[tilespmem:s25], [sflag:$0x2] =	stream.indirect_vreg.gather [hbm4b:s3+s22], $0x80, v3, vm0, $0xb8;
	[tilespmem:$0x18400] =	vst v63  }
0x25b: {  	s26 =	simm.s32 $0x14400  }
0x25c: {  	[tilespmem:s26], [sflag:$0x2] =	stream.indirect_vreg.gather [hbm4b:s9+s22], $0x80, v3, vm0, $0xb8;
	[tilespmem:$0x18400] =	vst v63  }
0x25d: {  	s28 =	simm.s32 $0x14C00  }
0x25e: {  	[tilespmem:s28], [sflag:$0x2] =	stream.indirect_vreg.gather [hbm4b:s10+s22], $0x80, v3, vm0, $0xb8;
	[tilespmem:$0x18400] =	vst v63  }
0x25f: {  	v3 =	vld [tilespmem:$0x330];
	_ =	sdelay $0x4  }
0x260: {  	v63 =	vshrl.u32 v3, $0x3  }
0x261: {  	v4 =	vmul.u32 $0x30, v63  }
0x262: {  	v3 =	vand.u32 $0x7, v3  }
0x263: {  	v3 =	vor.u32 v3, v4  }
0x264: {  	v4 =	vperm.xlane v3, v0;
	_ =	sdelay $0x1  }
0x265: {  	v4 =	vadd.s32 v1, v4;
	_ =	sdelay $0x3  }
0x266: {  	s29 =	simm.s32 $0x15400;
	v3 =	vperm.xlane v3, v2  }
0x267: {  	[tilespmem:s29], [sflag:$0x2] =	stream.indirect_vreg.gather [hbm4b:s3+s22], $0x80, v4, vm0, $0xb8;
	[tilespmem:$0x18400] =	vst v63  }
0x268: {  	s24 =	simm.s32 $0x15C00;
	v3 =	vadd.s32 v1, v3  }
0x269: {  	[tilespmem:s24], [sflag:$0x2] =	stream.indirect_vreg.gather [hbm4b:s9+s22], $0x80, v4, vm0, $0xb8;
	[tilespmem:$0x18400] =	vst v63  }
0x26a: {  	s25 =	simm.s32 $0x16400  }
0x26b: {  	[tilespmem:s25], [sflag:$0x2] =	stream.indirect_vreg.gather [hbm4b:s10+s22], $0x80, v4, vm0, $0xb8;
	[tilespmem:$0x18400] =	vst v63  }
0x26c: {  	s26 =	simm.s32 $0x16C00  }
0x26d: {  	[tilespmem:s26], [sflag:$0x2] =	stream.indirect_vreg.gather [hbm4b:s3+s22], $0x80, v3, vm0, $0xb8;
	[tilespmem:$0x18400] =	vst v63  }
0x26e: {  	s28 =	simm.s32 $0x17400  }
0x26f: {  	[tilespmem:s28], [sflag:$0x2] =	stream.indirect_vreg.gather [hbm4b:s9+s22], $0x80, v3, vm0, $0xb8;
	[tilespmem:$0x18400] =	vst v63  }
0x270: {  	s29 =	simm.s32 $0x17C00  }
0x271: {  	[tilespmem:s29], [sflag:$0x2] =	stream.indirect_vreg.gather [hbm4b:s10+s22], $0x80, v3, vm0, $0xb8;
	[tilespmem:$0x18400] =	vst v63  }
0x272: {  	_ =	swait.ge [sflag:s20], $0xC000  }
0x273: {  	[sflag:s20] =	ssyncset.done $0x0  }
0x274: {  	s23 =	simm.s32 $0x0;
	[sflag:s20] =	ssyncadd.s32 $0xFFFF4000  }
.LBB2_13:
0x275: {  	s24 =	sand.u32 $0x7, s22  }
0x276: {  	s24 =	sshll.u32 s24, $0x9  }
0x277: {  	s24 =	sshrl.u32 s24, $0x2  }
0x278: {  	s25 =	sshrl.u32 s23, $0x3;
	v3 =	vmov s24  }
0x279: {  	s25 =	smul.u32 $0x6000, s25;
	_ =	sdelay $0x1  }
0x27a: {  	s25 =	sshra.s32 s25, $0x2  }
0x27b: {  	s28 =	sadd.s32 $0xC440, s25  }
0x27c: {  	v4 =	vld.idx.msk [tilespmem:v3+s28+$0xFFFFFFC0 ss:$0x1], $0xffff;
	_ =	sdelay $0x2  }
0x27d: {  	s25 =	sor.u32 $0x400, s25  }
0x27e: {  	s29 =	sadd.s32 s24, s25  }
0x27f: {  	[tilespmem:s29+$0x0] =	vst.add.f32.msk $0xffff, v4  }
0x280: {  	v4 =	vld.idx.msk [tilespmem:v3+s28+$0xFFFFFFD0 ss:$0x1], $0xffff;
	_ =	sdelay $0x4  }
0x281: {  	[tilespmem:s29+$0x10] =	vst.add.f32.msk $0xffff, v4  }
0x282: {  	v4 =	vld.idx.msk [tilespmem:v3+s28+$0xFFFFFFE0 ss:$0x1], $0xffff;
	_ =	sdelay $0x4  }
0x283: {  	[tilespmem:s29+$0x20] =	vst.add.f32.msk $0xffff, v4  }
0x284: {  	v4 =	vld.idx.msk [tilespmem:v3+s28+$0xFFFFFFF0 ss:$0x1], $0xffff;
	_ =	sdelay $0x4  }
0x285: {  	[tilespmem:s29+$0x30] =	vst.add.f32.msk $0xffff, v4  }
0x286: {  	v4 =	vld.idx.msk [tilespmem:v3+s28+$0x0 ss:$0x1], $0xffff;
	_ =	sdelay $0x4  }
0x287: {  	[tilespmem:s29+$0x40] =	vst.add.f32.msk $0xffff, v4  }
0x288: {  	v4 =	vld.idx.msk [tilespmem:v3+s28+$0x10 ss:$0x1], $0xffff;
	_ =	sdelay $0x4  }
0x289: {  	[tilespmem:s29+$0x50] =	vst.add.f32.msk $0xffff, v4  }
0x28a: {  	v4 =	vld.idx.msk [tilespmem:v3+s28+$0x20 ss:$0x1], $0xffff;
	_ =	sdelay $0x4  }
0x28b: {  	[tilespmem:s29+$0x60] =	vst.add.f32.msk $0xffff, v4  }
0x28c: {  	v4 =	vld.idx.msk [tilespmem:v3+s28+$0x30 ss:$0x1], $0xffff;
	_ =	sdelay $0x4  }
0x28d: {  	s26 =	simm.s32 $0x0;
	s28 =	sadd.s32 $0x400, s28;
	[tilespmem:s29+$0x70] =	vst.add.f32.msk $0xffff, v4  }
.LBB2_14:
0x28e: {  	v4 =	vld.idx.msk [tilespmem:v3+s28+$0xFFFFFFC0 ss:$0x1], $0xffff;
	s26 =	sadd.s32 $0x8, s26  }
0x28f: {  	p1 =	slt.u32 s26, $0x28;
	_ =	sdelay $0x2  }
0x290: {  	s25 =	sadd.s32 $0x400, s25  }
0x291: {  	s29 =	sadd.s32 s24, s25  }
0x292: {  	[tilespmem:s29+$0x0] =	vst.add.f32.msk $0xffff, v4  }
0x293: {  	v4 =	vld.idx.msk [tilespmem:v3+s28+$0xFFFFFFD0 ss:$0x1], $0xffff;
	_ =	sdelay $0x5  }
0x294: {  	[tilespmem:s29+$0x10] =	vst.add.f32.msk $0xffff, v4  }
0x295: {  	v4 =	vld.idx.msk [tilespmem:v3+s28+$0xFFFFFFE0 ss:$0x1], $0xffff;
	_ =	sdelay $0x5  }
0x296: {  	[tilespmem:s29+$0x20] =	vst.add.f32.msk $0xffff, v4  }
0x297: {  	v4 =	vld.idx.msk [tilespmem:v3+s28+$0xFFFFFFF0 ss:$0x1], $0xffff;
	_ =	sdelay $0x5  }
0x298: {  	[tilespmem:s29+$0x30] =	vst.add.f32.msk $0xffff, v4  }
0x299: {  	v4 =	vld.idx.msk [tilespmem:v3+s28+$0x0 ss:$0x1], $0xffff;
	_ =	sdelay $0x5  }
0x29a: {  	[tilespmem:s29+$0x40] =	vst.add.f32.msk $0xffff, v4  }
0x29b: {  	v4 =	vld.idx.msk [tilespmem:v3+s28+$0x10 ss:$0x1], $0xffff;
	_ =	sdelay $0x5  }
0x29c: {  	[tilespmem:s29+$0x50] =	vst.add.f32.msk $0xffff, v4  }
0x29d: {  	v4 =	vld.idx.msk [tilespmem:v3+s28+$0x20 ss:$0x1], $0xffff;
	_ =	sdelay $0x5  }
0x29e: {  	[tilespmem:s29+$0x60] =	vst.add.f32.msk $0xffff, v4  }
0x29f: {  	v4 =	vld.idx.msk [tilespmem:v3+s28+$0x30 ss:$0x1], $0xffff;
	_ =	sdelay $0x1  }
.Ltmp9:
0x2a0: {  	(pc) =	sbr.rel @p1 .LBB2_14-.Ltmp9, $2  }
0x2a1: {  	_ =	sdelay $0x2  }
0x2a2: {  	s28 =	sadd.s32 $0x400, s28;
	[tilespmem:s29+$0x70] =	vst.add.f32.msk $0xffff, v4  }
0x2a3: {  	s23 =	sadd.s32 $0x1, s23  }
0x2a4: {  	p1 =	sne.s32 s23, $0x40  }
.Ltmp10:
0x2a5: {  	_ = 	snop;
	(pc) =	sbr.rel @p1 .LBB2_13-.Ltmp10, $2  }
0x2a6: {  	_ =	sdelay $0x2  }
0x2a7: {  	s22 =	sadd.s32 $0x1, s22  }
.LBB2_16:
0x2a8: {  	s22 =	rddreg [dreg:$0xa]  }
0x2a9: {  	[hbm4b:s22+s4] =	stream.linear.scatter [tilespmem:s17], [sflag:$0x3], $0xC000, $0x38;
	[tilespmem:$0x18400] =	vst v63  }
0x2aa: {  	_ =	swait.ge [sflag:s16], $0xC000  }
0x2ab: {  	[sflag:s16] =	ssyncset.done $0x0  }
0x2ac: {  	[sflag:s16] =	ssyncadd.s32 $0xFFFF4000  }
0x2ad: {  	v3 =	vld [tilespmem:$0x180];
	_ =	sdelay $0x4  }
0x2ae: {  	v4 =	vshrl.u32 v3, $0x3  }
0x2af: {  	v4 =	vmul.u32 $0x30, v4  }
0x2b0: {  	v3 =	vand.u32 $0x7, v3  }
0x2b1: {  	v3 =	vor.u32 v3, v4  }
0x2b2: {  	v4 =	vperm.xlane v3, v0;
	_ =	sdelay $0x1  }
0x2b3: {  	v4 =	vadd.s32 v1, v4;
	_ =	sdelay $0x3  }
0x2b4: {  	v3 =	vperm.xlane v3, v2  }
0x2b5: {  	[tilespmem:s17], [sflag:$0x1] =	stream.indirect_vreg.gather [hbm4b:s1+s4], $0x80, v4, vm0, $0xb8;
	[tilespmem:$0x18400] =	vst v63  }
0x2b6: {  	s24 =	simm.s32 $0xC00;
	v3 =	vadd.s32 v1, v3  }
0x2b7: {  	[tilespmem:s24], [sflag:$0x1] =	stream.indirect_vreg.gather [hbm4b:s7+s4], $0x80, v4, vm0, $0xb8;
	[tilespmem:$0x18400] =	vst v63  }
0x2b8: {  	s25 =	simm.s32 $0x1400  }
0x2b9: {  	[tilespmem:s25], [sflag:$0x1] =	stream.indirect_vreg.gather [hbm4b:s8+s4], $0x80, v4, vm0, $0xb8;
	[tilespmem:$0x18400] =	vst v63  }
0x2ba: {  	s26 =	simm.s32 $0x1C00  }
0x2bb: {  	[tilespmem:s26], [sflag:$0x1] =	stream.indirect_vreg.gather [hbm4b:s1+s4], $0x80, v3, vm0, $0xb8;
	[tilespmem:$0x18400] =	vst v63  }
0x2bc: {  	s28 =	simm.s32 $0x2400  }
0x2bd: {  	[tilespmem:s28], [sflag:$0x1] =	stream.indirect_vreg.gather [hbm4b:s7+s4], $0x80, v3, vm0, $0xb8;
	[tilespmem:$0x18400] =	vst v63  }
0x2be: {  	s29 =	simm.s32 $0x2C00  }
0x2bf: {  	[tilespmem:s29], [sflag:$0x1] =	stream.indirect_vreg.gather [hbm4b:s8+s4], $0x80, v3, vm0, $0xb8;
	[tilespmem:$0x18400] =	vst v63  }
0x2c0: {  	v3 =	vld [tilespmem:$0x190];
	_ =	sdelay $0x4  }
0x2c1: {  	v61 =	vshrl.u32 v3, $0x3  }
0x2c2: {  	v4 =	vmul.u32 $0x30, v61  }
0x2c3: {  	v3 =	vand.u32 $0x7, v3  }
0x2c4: {  	v3 =	vor.u32 v3, v4  }
0x2c5: {  	v4 =	vperm.xlane v3, v0;
	_ =	sdelay $0x1  }
0x2c6: {  	v4 =	vadd.s32 v1, v4;
	_ =	sdelay $0x3  }
0x2c7: {  	s23 =	simm.s32 $0x3400;
	v3 =	vperm.xlane v3, v2  }
0x2c8: {  	[tilespmem:s23], [sflag:$0x1] =	stream.indirect_vreg.gather [hbm4b:s1+s4], $0x80, v4, vm0, $0xb8;
	[tilespmem:$0x18400] =	vst v63  }
0x2c9: {  	s24 =	simm.s32 $0x3C00;
	v3 =	vadd.s32 v1, v3  }
0x2ca: {  	[tilespmem:s24], [sflag:$0x1] =	stream.indirect_vreg.gather [hbm4b:s7+s4], $0x80, v4, vm0, $0xb8;
	[tilespmem:$0x18400] =	vst v63  }
0x2cb: {  	s25 =	simm.s32 $0x4400  }
0x2cc: {  	[tilespmem:s25], [sflag:$0x1] =	stream.indirect_vreg.gather [hbm4b:s8+s4], $0x80, v4, vm0, $0xb8;
	[tilespmem:$0x18400] =	vst v63  }
0x2cd: {  	s26 =	simm.s32 $0x4C00  }
0x2ce: {  	[tilespmem:s26], [sflag:$0x1] =	stream.indirect_vreg.gather [hbm4b:s1+s4], $0x80, v3, vm0, $0xb8;
	[tilespmem:$0x18400] =	vst v63  }
0x2cf: {  	s28 =	simm.s32 $0x5400  }
0x2d0: {  	[tilespmem:s28], [sflag:$0x1] =	stream.indirect_vreg.gather [hbm4b:s7+s4], $0x80, v3, vm0, $0xb8;
	[tilespmem:$0x18400] =	vst v63  }
0x2d1: {  	s29 =	simm.s32 $0x5C00  }
0x2d2: {  	[tilespmem:s29], [sflag:$0x1] =	stream.indirect_vreg.gather [hbm4b:s8+s4], $0x80, v3, vm0, $0xb8;
	[tilespmem:$0x18400] =	vst v63  }
0x2d3: {  	v3 =	vld [tilespmem:$0x1A0];
	_ =	sdelay $0x4  }
0x2d4: {  	v62 =	vshrl.u32 v3, $0x3  }
0x2d5: {  	v4 =	vmul.u32 $0x30, v62  }
0x2d6: {  	v3 =	vand.u32 $0x7, v3  }
0x2d7: {  	v3 =	vor.u32 v3, v4  }
0x2d8: {  	v4 =	vperm.xlane v3, v0;
	_ =	sdelay $0x1  }
0x2d9: {  	v4 =	vadd.s32 v1, v4;
	_ =	sdelay $0x3  }
0x2da: {  	v3 =	vperm.xlane v3, v2  }
0x2db: {  	[tilespmem:s30], [sflag:$0x1] =	stream.indirect_vreg.gather [hbm4b:s1+s4], $0x80, v4, vm0, $0xb8;
	[tilespmem:$0x18400] =	vst v63  }
0x2dc: {  	v3 =	vadd.s32 v1, v3  }
0x2dd: {  	[tilespmem:s31], [sflag:$0x1] =	stream.indirect_vreg.gather [hbm4b:s7+s4], $0x80, v4, vm0, $0xb8;
	[tilespmem:$0x18400] =	vst v63  }
0x2de: {  	_ = 	snop  }
0x2df: {  	[tilespmem:s0], [sflag:$0x1] =	stream.indirect_vreg.gather [hbm4b:s8+s4], $0x80, v4, vm0, $0xb8;
	[tilespmem:$0x18400] =	vst v63  }
0x2e0: {  	_ = 	snop  }
0x2e1: {  	[tilespmem:s2], [sflag:$0x1] =	stream.indirect_vreg.gather [hbm4b:s1+s4], $0x80, v3, vm0, $0xb8;
	[tilespmem:$0x18400] =	vst v63  }
0x2e2: {  	_ = 	snop  }
0x2e3: {  	[tilespmem:s5], [sflag:$0x1] =	stream.indirect_vreg.gather [hbm4b:s7+s4], $0x80, v3, vm0, $0xb8;
	[tilespmem:$0x18400] =	vst v63  }
0x2e4: {  	_ = 	snop  }
0x2e5: {  	[tilespmem:s6], [sflag:$0x1] =	stream.indirect_vreg.gather [hbm4b:s8+s4], $0x80, v3, vm0, $0xb8;
	[tilespmem:$0x18400] =	vst v63  }
0x2e6: {  	v3 =	vld [tilespmem:$0x1B0];
	_ =	sdelay $0x4  }
0x2e7: {  	v63 =	vshrl.u32 v3, $0x3  }
0x2e8: {  	v4 =	vmul.u32 $0x30, v63  }
0x2e9: {  	v3 =	vand.u32 $0x7, v3  }
0x2ea: {  	v3 =	vor.u32 v3, v4  }
0x2eb: {  	v4 =	vperm.xlane v3, v0;
	_ =	sdelay $0x1  }
0x2ec: {  	v4 =	vadd.s32 v1, v4;
	_ =	sdelay $0x3  }
0x2ed: {  	v3 =	vperm.xlane v3, v2  }
0x2ee: {  	[tilespmem:s12], [sflag:$0x1] =	stream.indirect_vreg.gather [hbm4b:s1+s4], $0x80, v4, vm0, $0xb8;
	[tilespmem:$0x18400] =	vst v63  }
0x2ef: {  	v3 =	vadd.s32 v1, v3  }
0x2f0: {  	[tilespmem:s13], [sflag:$0x1] =	stream.indirect_vreg.gather [hbm4b:s7+s4], $0x80, v4, vm0, $0xb8;
	[tilespmem:$0x18400] =	vst v63  }
0x2f1: {  	_ = 	snop  }
0x2f2: {  	[tilespmem:s14], [sflag:$0x1] =	stream.indirect_vreg.gather [hbm4b:s8+s4], $0x80, v4, vm0, $0xb8;
	[tilespmem:$0x18400] =	vst v63  }
0x2f3: {  	_ = 	snop  }
0x2f4: {  	[tilespmem:s15], [sflag:$0x1] =	stream.indirect_vreg.gather [hbm4b:s1+s4], $0x80, v3, vm0, $0xb8;
	[tilespmem:$0x18400] =	vst v63  }
0x2f5: {  	_ = 	snop  }
0x2f6: {  	[tilespmem:s11], [sflag:$0x1] =	stream.indirect_vreg.gather [hbm4b:s7+s4], $0x80, v3, vm0, $0xb8;
	[tilespmem:$0x18400] =	vst v63  }
.Ltmp11:
0x2f7: {  	_ = 	snop;
	(pc) =	sbr.rel @p0 .LBB2_21-.Ltmp11, $4  }
0x2f8: {  	[tilespmem:s18], [sflag:$0x1] =	stream.indirect_vreg.gather [hbm4b:s8+s4], $0x80, v3, vm0, $0xb8;
	[tilespmem:$0x18400] =	vst v63  }
0x2f9: {  	_ =	swait.ge [sflag:s19], $0xC000  }
0x2fa: {  	[sflag:s19] =	ssyncset.done $0x0  }
0x2fb: {  	[sflag:s19] =	ssyncadd.s32 $0xFFFF4000  }
0x2fc: {  	v3 =	vld [tilespmem:$0x380];
	_ =	sdelay $0x4  }
0x2fd: {  	v4 =	vshrl.u32 v3, $0x3  }
0x2fe: {  	v4 =	vmul.u32 $0x30, v4  }
0x2ff: {  	v3 =	vand.u32 $0x7, v3  }
0x300: {  	v3 =	vor.u32 v3, v4  }
0x301: {  	v4 =	vperm.xlane v3, v0;
	_ =	sdelay $0x1  }
0x302: {  	v4 =	vadd.s32 v1, v4;
	_ =	sdelay $0x3  }
0x303: {  	s22 =	simm.s32 $0x0;
	s23 =	simm.s32 $0xC400;
	v3 =	vperm.xlane v3, v2  }
0x304: {  	[tilespmem:s23], [sflag:$0x2] =	stream.indirect_vreg.gather [hbm4b:s3+s22], $0x80, v4, vm0, $0xb8;
	[tilespmem:$0x18400] =	vst v63  }
0x305: {  	s26 =	simm.s32 $0xCC00;
	v3 =	vadd.s32 v1, v3  }
0x306: {  	[tilespmem:s26], [sflag:$0x2] =	stream.indirect_vreg.gather [hbm4b:s9+s22], $0x80, v4, vm0, $0xb8;
	[tilespmem:$0x18400] =	vst v63  }
0x307: {  	s28 =	simm.s32 $0xD400  }
0x308: {  	[tilespmem:s28], [sflag:$0x2] =	stream.indirect_vreg.gather [hbm4b:s10+s22], $0x80, v4, vm0, $0xb8;
	[tilespmem:$0x18400] =	vst v63  }
0x309: {  	s29 =	simm.s32 $0xDC00  }
0x30a: {  	[tilespmem:s29], [sflag:$0x2] =	stream.indirect_vreg.gather [hbm4b:s3+s22], $0x80, v3, vm0, $0xb8;
	[tilespmem:$0x18400] =	vst v63  }
0x30b: {  	s24 =	simm.s32 $0xE400  }
0x30c: {  	[tilespmem:s24], [sflag:$0x2] =	stream.indirect_vreg.gather [hbm4b:s9+s22], $0x80, v3, vm0, $0xb8;
	[tilespmem:$0x18400] =	vst v63  }
0x30d: {  	s25 =	simm.s32 $0xEC00  }
0x30e: {  	[tilespmem:s25], [sflag:$0x2] =	stream.indirect_vreg.gather [hbm4b:s10+s22], $0x80, v3, vm0, $0xb8;
	[tilespmem:$0x18400] =	vst v63  }
0x30f: {  	v3 =	vld [tilespmem:$0x390];
	_ =	sdelay $0x4  }
0x310: {  	v61 =	vshrl.u32 v3, $0x3  }
0x311: {  	v4 =	vmul.u32 $0x30, v61  }
0x312: {  	v3 =	vand.u32 $0x7, v3  }
0x313: {  	v3 =	vor.u32 v3, v4  }
0x314: {  	v4 =	vperm.xlane v3, v0;
	_ =	sdelay $0x1  }
0x315: {  	v4 =	vadd.s32 v1, v4;
	_ =	sdelay $0x3  }
0x316: {  	s26 =	simm.s32 $0xF400;
	v3 =	vperm.xlane v3, v2  }
0x317: {  	[tilespmem:s26], [sflag:$0x2] =	stream.indirect_vreg.gather [hbm4b:s3+s22], $0x80, v4, vm0, $0xb8;
	[tilespmem:$0x18400] =	vst v63  }
0x318: {  	s28 =	simm.s32 $0xFC00;
	v3 =	vadd.s32 v1, v3  }
0x319: {  	[tilespmem:s28], [sflag:$0x2] =	stream.indirect_vreg.gather [hbm4b:s9+s22], $0x80, v4, vm0, $0xb8;
	[tilespmem:$0x18400] =	vst v63  }
0x31a: {  	s29 =	simm.s32 $0x10400  }
0x31b: {  	[tilespmem:s29], [sflag:$0x2] =	stream.indirect_vreg.gather [hbm4b:s10+s22], $0x80, v4, vm0, $0xb8;
	[tilespmem:$0x18400] =	vst v63  }
0x31c: {  	s24 =	simm.s32 $0x10C00  }
0x31d: {  	[tilespmem:s24], [sflag:$0x2] =	stream.indirect_vreg.gather [hbm4b:s3+s22], $0x80, v3, vm0, $0xb8;
	[tilespmem:$0x18400] =	vst v63  }
0x31e: {  	s25 =	simm.s32 $0x11400  }
0x31f: {  	[tilespmem:s25], [sflag:$0x2] =	stream.indirect_vreg.gather [hbm4b:s9+s22], $0x80, v3, vm0, $0xb8;
	[tilespmem:$0x18400] =	vst v63  }
0x320: {  	s26 =	simm.s32 $0x11C00  }
0x321: {  	[tilespmem:s26], [sflag:$0x2] =	stream.indirect_vreg.gather [hbm4b:s10+s22], $0x80, v3, vm0, $0xb8;
	[tilespmem:$0x18400] =	vst v63  }
0x322: {  	v3 =	vld [tilespmem:$0x3A0];
	_ =	sdelay $0x4  }
0x323: {  	v62 =	vshrl.u32 v3, $0x3  }
0x324: {  	v4 =	vmul.u32 $0x30, v62  }
0x325: {  	v3 =	vand.u32 $0x7, v3  }
0x326: {  	v3 =	vor.u32 v3, v4  }
0x327: {  	v4 =	vperm.xlane v3, v0;
	_ =	sdelay $0x1  }
0x328: {  	v4 =	vadd.s32 v1, v4;
	_ =	sdelay $0x3  }
0x329: {  	s28 =	simm.s32 $0x12400;
	v3 =	vperm.xlane v3, v2  }
0x32a: {  	[tilespmem:s28], [sflag:$0x2] =	stream.indirect_vreg.gather [hbm4b:s3+s22], $0x80, v4, vm0, $0xb8;
	[tilespmem:$0x18400] =	vst v63  }
0x32b: {  	s29 =	simm.s32 $0x12C00;
	v3 =	vadd.s32 v1, v3  }
0x32c: {  	[tilespmem:s29], [sflag:$0x2] =	stream.indirect_vreg.gather [hbm4b:s9+s22], $0x80, v4, vm0, $0xb8;
	[tilespmem:$0x18400] =	vst v63  }
0x32d: {  	s24 =	simm.s32 $0x13400  }
0x32e: {  	[tilespmem:s24], [sflag:$0x2] =	stream.indirect_vreg.gather [hbm4b:s10+s22], $0x80, v4, vm0, $0xb8;
	[tilespmem:$0x18400] =	vst v63  }
0x32f: {  	s25 =	simm.s32 $0x13C00  }
0x330: {  	[tilespmem:s25], [sflag:$0x2] =	stream.indirect_vreg.gather [hbm4b:s3+s22], $0x80, v3, vm0, $0xb8;
	[tilespmem:$0x18400] =	vst v63  }
0x331: {  	s26 =	simm.s32 $0x14400  }
0x332: {  	[tilespmem:s26], [sflag:$0x2] =	stream.indirect_vreg.gather [hbm4b:s9+s22], $0x80, v3, vm0, $0xb8;
	[tilespmem:$0x18400] =	vst v63  }
0x333: {  	s28 =	simm.s32 $0x14C00  }
0x334: {  	[tilespmem:s28], [sflag:$0x2] =	stream.indirect_vreg.gather [hbm4b:s10+s22], $0x80, v3, vm0, $0xb8;
	[tilespmem:$0x18400] =	vst v63  }
0x335: {  	v3 =	vld [tilespmem:$0x3B0];
	_ =	sdelay $0x4  }
0x336: {  	v63 =	vshrl.u32 v3, $0x3  }
0x337: {  	v4 =	vmul.u32 $0x30, v63  }
0x338: {  	v3 =	vand.u32 $0x7, v3  }
0x339: {  	v3 =	vor.u32 v3, v4  }
0x33a: {  	v4 =	vperm.xlane v3, v0;
	_ =	sdelay $0x1  }
0x33b: {  	v4 =	vadd.s32 v1, v4;
	_ =	sdelay $0x3  }
0x33c: {  	s29 =	simm.s32 $0x15400;
	v3 =	vperm.xlane v3, v2  }
0x33d: {  	[tilespmem:s29], [sflag:$0x2] =	stream.indirect_vreg.gather [hbm4b:s3+s22], $0x80, v4, vm0, $0xb8;
	[tilespmem:$0x18400] =	vst v63  }
0x33e: {  	s24 =	simm.s32 $0x15C00;
	v3 =	vadd.s32 v1, v3  }
0x33f: {  	[tilespmem:s24], [sflag:$0x2] =	stream.indirect_vreg.gather [hbm4b:s9+s22], $0x80, v4, vm0, $0xb8;
	[tilespmem:$0x18400] =	vst v63  }
0x340: {  	s25 =	simm.s32 $0x16400  }
0x341: {  	[tilespmem:s25], [sflag:$0x2] =	stream.indirect_vreg.gather [hbm4b:s10+s22], $0x80, v4, vm0, $0xb8;
	[tilespmem:$0x18400] =	vst v63  }
0x342: {  	s26 =	simm.s32 $0x16C00  }
0x343: {  	[tilespmem:s26], [sflag:$0x2] =	stream.indirect_vreg.gather [hbm4b:s3+s22], $0x80, v3, vm0, $0xb8;
	[tilespmem:$0x18400] =	vst v63  }
0x344: {  	s28 =	simm.s32 $0x17400  }
0x345: {  	[tilespmem:s28], [sflag:$0x2] =	stream.indirect_vreg.gather [hbm4b:s9+s22], $0x80, v3, vm0, $0xb8;
	[tilespmem:$0x18400] =	vst v63  }
0x346: {  	s29 =	simm.s32 $0x17C00  }
0x347: {  	[tilespmem:s29], [sflag:$0x2] =	stream.indirect_vreg.gather [hbm4b:s10+s22], $0x80, v3, vm0, $0xb8;
	[tilespmem:$0x18400] =	vst v63  }
0x348: {  	_ =	swait.ge [sflag:s20], $0xC000  }
0x349: {  	[sflag:s20] =	ssyncset.done $0x0  }
0x34a: {  	s23 =	simm.s32 $0x0;
	[sflag:s20] =	ssyncadd.s32 $0xFFFF4000  }
.LBB2_18:
0x34b: {  	s24 =	sand.u32 $0x7, s22  }
0x34c: {  	s24 =	sshll.u32 s24, $0x9  }
0x34d: {  	s24 =	sshrl.u32 s24, $0x2  }
0x34e: {  	s25 =	sshrl.u32 s23, $0x3;
	v3 =	vmov s24  }
0x34f: {  	s25 =	smul.u32 $0x6000, s25;
	_ =	sdelay $0x1  }
0x350: {  	s25 =	sshra.s32 s25, $0x2  }
0x351: {  	s28 =	sadd.s32 $0xC440, s25  }
0x352: {  	v4 =	vld.idx.msk [tilespmem:v3+s28+$0xFFFFFFC0 ss:$0x1], $0xffff;
	_ =	sdelay $0x2  }
0x353: {  	s25 =	sor.u32 $0x400, s25  }
0x354: {  	s29 =	sadd.s32 s24, s25  }
0x355: {  	[tilespmem:s29+$0x0] =	vst.add.f32.msk $0xffff, v4  }
0x356: {  	v4 =	vld.idx.msk [tilespmem:v3+s28+$0xFFFFFFD0 ss:$0x1], $0xffff;
	_ =	sdelay $0x4  }
0x357: {  	[tilespmem:s29+$0x10] =	vst.add.f32.msk $0xffff, v4  }
0x358: {  	v4 =	vld.idx.msk [tilespmem:v3+s28+$0xFFFFFFE0 ss:$0x1], $0xffff;
	_ =	sdelay $0x4  }
0x359: {  	[tilespmem:s29+$0x20] =	vst.add.f32.msk $0xffff, v4  }
0x35a: {  	v4 =	vld.idx.msk [tilespmem:v3+s28+$0xFFFFFFF0 ss:$0x1], $0xffff;
	_ =	sdelay $0x4  }
0x35b: {  	[tilespmem:s29+$0x30] =	vst.add.f32.msk $0xffff, v4  }
0x35c: {  	v4 =	vld.idx.msk [tilespmem:v3+s28+$0x0 ss:$0x1], $0xffff;
	_ =	sdelay $0x4  }
0x35d: {  	[tilespmem:s29+$0x40] =	vst.add.f32.msk $0xffff, v4  }
0x35e: {  	v4 =	vld.idx.msk [tilespmem:v3+s28+$0x10 ss:$0x1], $0xffff;
	_ =	sdelay $0x4  }
0x35f: {  	[tilespmem:s29+$0x50] =	vst.add.f32.msk $0xffff, v4  }
0x360: {  	v4 =	vld.idx.msk [tilespmem:v3+s28+$0x20 ss:$0x1], $0xffff;
	_ =	sdelay $0x4  }
0x361: {  	[tilespmem:s29+$0x60] =	vst.add.f32.msk $0xffff, v4  }
0x362: {  	v4 =	vld.idx.msk [tilespmem:v3+s28+$0x30 ss:$0x1], $0xffff;
	_ =	sdelay $0x4  }
0x363: {  	s26 =	simm.s32 $0x0;
	s28 =	sadd.s32 $0x400, s28;
	[tilespmem:s29+$0x70] =	vst.add.f32.msk $0xffff, v4  }
.LBB2_19:
0x364: {  	v4 =	vld.idx.msk [tilespmem:v3+s28+$0xFFFFFFC0 ss:$0x1], $0xffff;
	s26 =	sadd.s32 $0x8, s26  }
0x365: {  	p1 =	slt.u32 s26, $0x28;
	_ =	sdelay $0x2  }
0x366: {  	s25 =	sadd.s32 $0x400, s25  }
0x367: {  	s29 =	sadd.s32 s24, s25  }
0x368: {  	[tilespmem:s29+$0x0] =	vst.add.f32.msk $0xffff, v4  }
0x369: {  	v4 =	vld.idx.msk [tilespmem:v3+s28+$0xFFFFFFD0 ss:$0x1], $0xffff;
	_ =	sdelay $0x5  }
0x36a: {  	[tilespmem:s29+$0x10] =	vst.add.f32.msk $0xffff, v4  }
0x36b: {  	v4 =	vld.idx.msk [tilespmem:v3+s28+$0xFFFFFFE0 ss:$0x1], $0xffff;
	_ =	sdelay $0x5  }
0x36c: {  	[tilespmem:s29+$0x20] =	vst.add.f32.msk $0xffff, v4  }
0x36d: {  	v4 =	vld.idx.msk [tilespmem:v3+s28+$0xFFFFFFF0 ss:$0x1], $0xffff;
	_ =	sdelay $0x5  }
0x36e: {  	[tilespmem:s29+$0x30] =	vst.add.f32.msk $0xffff, v4  }
0x36f: {  	v4 =	vld.idx.msk [tilespmem:v3+s28+$0x0 ss:$0x1], $0xffff;
	_ =	sdelay $0x5  }
0x370: {  	[tilespmem:s29+$0x40] =	vst.add.f32.msk $0xffff, v4  }
0x371: {  	v4 =	vld.idx.msk [tilespmem:v3+s28+$0x10 ss:$0x1], $0xffff;
	_ =	sdelay $0x5  }
0x372: {  	[tilespmem:s29+$0x50] =	vst.add.f32.msk $0xffff, v4  }
0x373: {  	v4 =	vld.idx.msk [tilespmem:v3+s28+$0x20 ss:$0x1], $0xffff;
	_ =	sdelay $0x5  }
0x374: {  	[tilespmem:s29+$0x60] =	vst.add.f32.msk $0xffff, v4  }
0x375: {  	v4 =	vld.idx.msk [tilespmem:v3+s28+$0x30 ss:$0x1], $0xffff;
	_ =	sdelay $0x1  }
.Ltmp12:
0x376: {  	(pc) =	sbr.rel @p1 .LBB2_19-.Ltmp12, $2  }
0x377: {  	_ =	sdelay $0x2  }
0x378: {  	s28 =	sadd.s32 $0x400, s28;
	[tilespmem:s29+$0x70] =	vst.add.f32.msk $0xffff, v4  }
0x379: {  	s23 =	sadd.s32 $0x1, s23  }
0x37a: {  	p1 =	sne.s32 s23, $0x40  }
.Ltmp13:
0x37b: {  	_ = 	snop;
	(pc) =	sbr.rel @p1 .LBB2_18-.Ltmp13, $4  }
.Ltmp14:
0x37c: {  	_ = 	snop;
	(pc) =	sbr.rel @!p1 .LBB2_21-.Ltmp14, $4  }
0x37d: {  	_ = 	snop  }
0x37e: {  	_ = 	snop  }
0x37f: {  	s22 =	sadd.s32 $0x1, s22  }
0x380: {  	_ = 	snop  }
.LBB2_22:
0x381: {  	_ =	sfence.sel $0x180000  }
0x382: {  	[bflag:$0x0] =	sbarrier.arrive $0xFFFF  }
0x383: {  	_ =	strace $0x90000047  }
0x384: {  	s0 =	stileid.u32;
	[bflag:$0x2] =	sbarrier.arrive $0xFFFF  }
0x385: {  	p0 =	sne.s32 s0, $0x0;
	s0 =	rddreg [dreg:$0x5]  }
0x386: {  	s0 =	sadd.s32 @!p0 $0x100000, s0  }
0x387: {  	[sflag:s0] =	ssyncadd.tile.s32 @!p0 $0x1;
	_ =	shalt  }
.Lfunc_end2:
_tile_overlayer_lowered:
.L_overlay_start_2:
0x388: {  	(tag) =	ssettag $0x2  }
0x389: {  	s0 =	rddreg [dreg:$0x0];
	s2 =	stileid.u32  }
0x38a: {  	s1 =	rddreg [dreg:$0x1];
	p0 =	sne.s32 s2, $0x0  }
0x38b: {  	s3 =	rddreg [dreg:$0x2];
	[bflag:$0x3] =	sbarrier.arrive $0xFFFF;
	s2 =	simm.s32 @!p0 $0x1C03  }
0x38c: {  	[timem:s3], [sflag:s2] =	dma.local @!p0 [hbm:s0], s1  }
0x38d: {  	s0 =	simm.s32 @!p0 $0x3  }
0x38e: {  	_ =	swait.ge @!p0 [sflag:s0], s1  }
0x38f: {  	s1 =	ssub.s32 @!p0 $0x0, s1;
	[sflag:s0] =	ssyncset.done @!p0 $0x0  }
0x390: {  	[sflag:s0] =	ssyncadd.s32 @!p0 s1  }
0x391: {  	[bflag:$0x3] =	sbarrier.arrive $0xFFFF  }
0x392: {  	_ =	shalt  }

</sc_bundles>
